<compile_context>
chip_gen: v7x
topology: tpu7x:2x2x1
jax: 0.10.2.dev20260603
libtpu: 0.0.44.dev20260713+nightly
codegen_flags: <defaults>
</compile_context>

<pallas_src>
import functools

import jax
import jax.numpy as jnp
from jax import lax
from jax.experimental import pallas as pl
from jax.experimental.pallas import tpu as pltpu
from jax.experimental.pallas import tpu_sc as plsc

VOCAB = 1000000
EMBED = 64

NC = 2
NS = 16
NW = NC * NS

CHUNK = 128
B_TOTAL = 16384 * 50
N_IDX_ROWS = B_TOTAL // CHUNK
ROWS_PER_W = N_IDX_ROWS // NW
NBUF = 8


def _sc_gather(idx2d, table):
    mesh = plsc.VectorSubcoreMesh(
        core_axis_name="c", subcore_axis_name="s", num_cores=NC,
        num_subcores=NS)

    @functools.partial(
        pl.kernel,
        out_type=jax.ShapeDtypeStruct((B_TOTAL, EMBED), jnp.float32),
        mesh=mesh,
        compiler_params=pltpu.CompilerParams(use_tc_tiling_on_sc=False),
        scratch_types=[
            pltpu.VMEM((ROWS_PER_W, CHUNK), jnp.int32),
            pltpu.VMEM((NBUF, CHUNK, EMBED), jnp.float32),
            pltpu.SemaphoreType.DMA,
            pltpu.SemaphoreType.DMA,
        ],
    )
    def k(idx_hbm, table_hbm, out_hbm, idx_v, rows_v, gsem, ssem):
        wid = lax.axis_index("s") * NC + lax.axis_index("c")
        idx_base = wid * ROWS_PER_W
        pltpu.sync_copy(idx_hbm.at[pl.ds(idx_base, ROWS_PER_W)], idx_v)

        def gather(j, b):
            pltpu.async_copy(table_hbm.at[idx_v.at[j]], rows_v.at[b], gsem)

        def store(j, b):
            pltpu.async_copy(
                rows_v.at[b], out_hbm.at[pl.ds((idx_base + j) * CHUNK, CHUNK)],
                ssem)

        def wait_gather(b):
            pltpu.make_async_copy(
                table_hbm.at[idx_v.at[0]], rows_v.at[b], gsem).wait()

        def wait_store(b):
            pltpu.make_async_copy(
                rows_v.at[b], out_hbm.at[pl.ds(0, CHUNK)], ssem).wait()

        for b in range(NBUF):
            gather(b, b)
        for b in range(NBUF):
            wait_gather(b)
            store(b, b)

        def body(g):
            for b in range(NBUF):
                wait_store(b)
                gather(g + b, b)
            for b in range(NBUF):
                wait_gather(b)
                store(g + b, b)

        pl.loop(NBUF, ROWS_PER_W, step=NBUF)(body)

        for b in range(NBUF):
            wait_store(b)

    return k(idx2d, table)


def kernel(inputs, embeddings):
    idx2d = inputs.reshape(N_IDX_ROWS, CHUNK).astype(jnp.int32)
    out = _sc_gather(idx2d, embeddings)
    return out.reshape(inputs.shape[0], inputs.shape[1], EMBED)

# --- scband reference (transcript-rebuilt; emitter-appended) ---
"""Pipeline reference for scband-embedding-input-63170378990254 (READ-ONLY COPY).

The authoritative reference and input builder live on the scoring server;
editing this copy changes nothing except your own understanding.
"""

import jax, jax.numpy as jnp
import numpy as np

VOCAB = 1000000
EMBED = 64

def setup_inputs(seed: int = 0) -> dict:
    key = jax.random.key(seed)
    k1, k2 = jax.random.split(key)
    inputs = jax.random.randint(k1, (16384, 50), 0, VOCAB, dtype=jnp.int64 if jax.config.jax_enable_x64 else jnp.int32)
    # embedding table initialized uniform(-0.1, 0.1) to match E_init
    embeddings = jax.random.uniform(k2, (VOCAB, EMBED), dtype=jnp.float32, minval=-0.1, maxval=0.1)
    return {"inputs": inputs, "embeddings": embeddings}

def reference(inputs, embeddings):
    # tf.nn.embedding_lookup(embeddings, inputs) -> gather along axis 0
    outputs = jnp.take(embeddings, inputs, axis=0)
    return outputs

if __name__ == "__main__":
    import jax
    _d = setup_inputs()
    print(jax.jit(kernel)(*tuple(_d.values())))

</pallas_src>

<mosaic_0001>
#map = affine_map<(d0, d1) -> (0, 0)>
module attributes {stable_mosaic.version = 14 : i64} {
  func.func @k(%arg0: i32, %arg1: i32, %arg2: memref<6400x128xi32, #tpu.memory_space<hbm>>, %arg3: memref<1000000x64xf32, #tpu.memory_space<hbm>>, %arg4: memref<819200x64xf32, #tpu.memory_space<hbm>>, %arg5: memref<200x128xi32, #tpu.memory_space<vmem>>, %arg6: memref<8x128x64xf32, #tpu.memory_space<vmem>>, %arg7: memref<!tpu.dma_semaphore, #tpu.memory_space<semaphore_mem>>, %arg8: memref<!tpu.dma_semaphore, #tpu.memory_space<semaphore_mem>>) attributes {dimension_semantics = [#tpu.dimension_semantics<core_parallel>, #tpu.dimension_semantics<subcore_parallel>], iteration_bounds = array<i64: 2, 16>, scalar_prefetch = 0 : i64, scratch_operands = 4 : i64, tpu.core_type = #tpu.core_type<sc_vector_subcore>, window_params = [{transform_indices = #map}, {transform_indices = #map}, {transform_indices = #map}]} {
    %mul3A = arith.constant 2 : i32
    %mul3A_0 = arith.muli %arg1, %mul3A : i32
    %add3A = arith.addi %mul3A_0, %arg0 : i32
    %mul3A_1 = arith.constant 200 : i32
    %mul3A_2 = arith.muli %add3A, %mul3A_1 : i32
    "tpu.region"() ({
      %run_scoped3A = tpu.sem_alloc : memref<!tpu.dma_semaphore, #tpu.memory_space<semaphore_mem>>
      %dma_start3A_453 = arith.constant 0 : i32
      %dma_start3A_454 = tpu.memref_slice %arg2[%mul3A_2, %dma_start3A_453] : memref<6400x128xi32, #tpu.memory_space<hbm>> -> memref<200x128xi32, #tpu.memory_space<hbm>>
      %dma_start3A_455 = arith.constant 0 : i32
      %dma_start3A_456 = tpu.memref_slice %arg2[%mul3A_2, %dma_start3A_455] : memref<6400x128xi32, #tpu.memory_space<hbm>> -> memref<200x128xi32, #tpu.memory_space<hbm>>
      tpu.enqueue_dma source(%dma_start3A_456 : memref<200x128xi32, #tpu.memory_space<hbm>>) target(%arg5 : memref<200x128xi32, #tpu.memory_space<vmem>>) target_semaphore(%run_scoped3A : memref<!tpu.dma_semaphore, #tpu.memory_space<semaphore_mem>>)
      %dma_wait3A_457 = arith.constant 0 : i32
      %dma_wait3A_458 = tpu.memref_slice %arg2[%mul3A_2, %dma_wait3A_457] : memref<6400x128xi32, #tpu.memory_space<hbm>> -> memref<200x128xi32, #tpu.memory_space<hbm>>
      %dma_wait3A_459 = arith.constant 0 : i32
      %dma_wait3A_460 = tpu.memref_slice %arg2[%mul3A_2, %dma_wait3A_459] : memref<6400x128xi32, #tpu.memory_space<hbm>> -> memref<200x128xi32, #tpu.memory_space<hbm>>
      tpu.wait_dma2 semaphore(%run_scoped3A : memref<!tpu.dma_semaphore, #tpu.memory_space<semaphore_mem>>) src(%dma_wait3A_460 : memref<200x128xi32, #tpu.memory_space<hbm>>) dst(%arg5 : memref<200x128xi32, #tpu.memory_space<vmem>>)
      tpu.yield
    }) : () -> ()
    %dma_start3A = arith.constant 0 : i32
    %dma_start3A_3 = arith.constant 0 : i32
    %dma_start3A_4 = arith.constant 0 : i32
    %dma_start3A_5 = arith.constant 0 : i32
    %dma_start3A_6 = tpu.memref_slice %arg6[%dma_start3A_3, %dma_start3A_4, %dma_start3A_5] : memref<8x128x64xf32, #tpu.memory_space<vmem>> -> memref<1x128x64xf32, #tpu.memory_space<vmem>>
    %dma_start3A_7 = tpu.memref_squeeze %dma_start3A_6 : memref<1x128x64xf32, #tpu.memory_space<vmem>> -> memref<128x64xf32, #tpu.memory_space<vmem>>
    %dma_start3A_8 = arith.constant 0 : i32
    %dma_start3A_9 = tpu.memref_slice %arg5[%dma_start3A, %dma_start3A_8] : memref<200x128xi32, #tpu.memory_space<vmem>> -> memref<1x128xi32, #tpu.memory_space<vmem>>
    %dma_start3A_10 = tpu.memref_squeeze %dma_start3A_9 : memref<1x128xi32, #tpu.memory_space<vmem>> -> memref<128xi32, #tpu.memory_space<vmem>>
    %dma_start3A_11 = arith.constant 0 : i32
    %dma_start3A_12 = arith.constant 0 : i32
    %dma_start3A_13 = tpu.memref_slice %arg3[%dma_start3A_11, %dma_start3A_12] : memref<1000000x64xf32, #tpu.memory_space<hbm>> -> memref<1000000x64xf32, #tpu.memory_space<hbm>>
    tpu.enqueue_indirect_dma source(%dma_start3A_13 : memref<1000000x64xf32, #tpu.memory_space<hbm>>) target(%dma_start3A_7 : memref<128x64xf32, #tpu.memory_space<vmem>>) offsets(%dma_start3A_10 : memref<128xi32, #tpu.memory_space<vmem>>) semaphore(%arg7 : memref<!tpu.dma_semaphore, #tpu.memory_space<semaphore_mem>>)
    %dma_start3A_14 = arith.constant 1 : i32
    %dma_start3A_15 = arith.constant 1 : i32
    %dma_start3A_16 = arith.constant 0 : i32
    %dma_start3A_17 = arith.constant 0 : i32
    %dma_start3A_18 = tpu.memref_slice %arg6[%dma_start3A_15, %dma_start3A_16, %dma_start3A_17] : memref<8x128x64xf32, #tpu.memory_space<vmem>> -> memref<1x128x64xf32, #tpu.memory_space<vmem>>
    %dma_start3A_19 = tpu.memref_squeeze %dma_start3A_18 : memref<1x128x64xf32, #tpu.memory_space<vmem>> -> memref<128x64xf32, #tpu.memory_space<vmem>>
    %dma_start3A_20 = arith.constant 0 : i32
    %dma_start3A_21 = tpu.memref_slice %arg5[%dma_start3A_14, %dma_start3A_20] : memref<200x128xi32, #tpu.memory_space<vmem>> -> memref<1x128xi32, #tpu.memory_space<vmem>>
    %dma_start3A_22 = tpu.memref_squeeze %dma_start3A_21 : memref<1x128xi32, #tpu.memory_space<vmem>> -> memref<128xi32, #tpu.memory_space<vmem>>
    %dma_start3A_23 = arith.constant 0 : i32
    %dma_start3A_24 = arith.constant 0 : i32
    %dma_start3A_25 = tpu.memref_slice %arg3[%dma_start3A_23, %dma_start3A_24] : memref<1000000x64xf32, #tpu.memory_space<hbm>> -> memref<1000000x64xf32, #tpu.memory_space<hbm>>
    tpu.enqueue_indirect_dma source(%dma_start3A_25 : memref<1000000x64xf32, #tpu.memory_space<hbm>>) target(%dma_start3A_19 : memref<128x64xf32, #tpu.memory_space<vmem>>) offsets(%dma_start3A_22 : memref<128xi32, #tpu.memory_space<vmem>>) semaphore(%arg7 : memref<!tpu.dma_semaphore, #tpu.memory_space<semaphore_mem>>)
    %dma_start3A_26 = arith.constant 2 : i32
    %dma_start3A_27 = arith.constant 2 : i32
    %dma_start3A_28 = arith.constant 0 : i32
    %dma_start3A_29 = arith.constant 0 : i32
    %dma_start3A_30 = tpu.memref_slice %arg6[%dma_start3A_27, %dma_start3A_28, %dma_start3A_29] : memref<8x128x64xf32, #tpu.memory_space<vmem>> -> memref<1x128x64xf32, #tpu.memory_space<vmem>>
    %dma_start3A_31 = tpu.memref_squeeze %dma_start3A_30 : memref<1x128x64xf32, #tpu.memory_space<vmem>> -> memref<128x64xf32, #tpu.memory_space<vmem>>
    %dma_start3A_32 = arith.constant 0 : i32
    %dma_start3A_33 = tpu.memref_slice %arg5[%dma_start3A_26, %dma_start3A_32] : memref<200x128xi32, #tpu.memory_space<vmem>> -> memref<1x128xi32, #tpu.memory_space<vmem>>
    %dma_start3A_34 = tpu.memref_squeeze %dma_start3A_33 : memref<1x128xi32, #tpu.memory_space<vmem>> -> memref<128xi32, #tpu.memory_space<vmem>>
    %dma_start3A_35 = arith.constant 0 : i32
    %dma_start3A_36 = arith.constant 0 : i32
    %dma_start3A_37 = tpu.memref_slice %arg3[%dma_start3A_35, %dma_start3A_36] : memref<1000000x64xf32, #tpu.memory_space<hbm>> -> memref<1000000x64xf32, #tpu.memory_space<hbm>>
    tpu.enqueue_indirect_dma source(%dma_start3A_37 : memref<1000000x64xf32, #tpu.memory_space<hbm>>) target(%dma_start3A_31 : memref<128x64xf32, #tpu.memory_space<vmem>>) offsets(%dma_start3A_34 : memref<128xi32, #tpu.memory_space<vmem>>) semaphore(%arg7 : memref<!tpu.dma_semaphore, #tpu.memory_space<semaphore_mem>>)
    %dma_start3A_38 = arith.constant 3 : i32
    %dma_start3A_39 = arith.constant 3 : i32
    %dma_start3A_40 = arith.constant 0 : i32
    %dma_start3A_41 = arith.constant 0 : i32
    %dma_start3A_42 = tpu.memref_slice %arg6[%dma_start3A_39, %dma_start3A_40, %dma_start3A_41] : memref<8x128x64xf32, #tpu.memory_space<vmem>> -> memref<1x128x64xf32, #tpu.memory_space<vmem>>
    %dma_start3A_43 = tpu.memref_squeeze %dma_start3A_42 : memref<1x128x64xf32, #tpu.memory_space<vmem>> -> memref<128x64xf32, #tpu.memory_space<vmem>>
    %dma_start3A_44 = arith.constant 0 : i32
    %dma_start3A_45 = tpu.memref_slice %arg5[%dma_start3A_38, %dma_start3A_44] : memref<200x128xi32, #tpu.memory_space<vmem>> -> memref<1x128xi32, #tpu.memory_space<vmem>>
    %dma_start3A_46 = tpu.memref_squeeze %dma_start3A_45 : memref<1x128xi32, #tpu.memory_space<vmem>> -> memref<128xi32, #tpu.memory_space<vmem>>
    %dma_start3A_47 = arith.constant 0 : i32
    %dma_start3A_48 = arith.constant 0 : i32
    %dma_start3A_49 = tpu.memref_slice %arg3[%dma_start3A_47, %dma_start3A_48] : memref<1000000x64xf32, #tpu.memory_space<hbm>> -> memref<1000000x64xf32, #tpu.memory_space<hbm>>
    tpu.enqueue_indirect_dma source(%dma_start3A_49 : memref<1000000x64xf32, #tpu.memory_space<hbm>>) target(%dma_start3A_43 : memref<128x64xf32, #tpu.memory_space<vmem>>) offsets(%dma_start3A_46 : memref<128xi32, #tpu.memory_space<vmem>>) semaphore(%arg7 : memref<!tpu.dma_semaphore, #tpu.memory_space<semaphore_mem>>)
    %dma_start3A_50 = arith.constant 4 : i32
    %dma_start3A_51 = arith.constant 4 : i32
    %dma_start3A_52 = arith.constant 0 : i32
    %dma_start3A_53 = arith.constant 0 : i32
    %dma_start3A_54 = tpu.memref_slice %arg6[%dma_start3A_51, %dma_start3A_52, %dma_start3A_53] : memref<8x128x64xf32, #tpu.memory_space<vmem>> -> memref<1x128x64xf32, #tpu.memory_space<vmem>>
    %dma_start3A_55 = tpu.memref_squeeze %dma_start3A_54 : memref<1x128x64xf32, #tpu.memory_space<vmem>> -> memref<128x64xf32, #tpu.memory_space<vmem>>
    %dma_start3A_56 = arith.constant 0 : i32
    %dma_start3A_57 = tpu.memref_slice %arg5[%dma_start3A_50, %dma_start3A_56] : memref<200x128xi32, #tpu.memory_space<vmem>> -> memref<1x128xi32, #tpu.memory_space<vmem>>
    %dma_start3A_58 = tpu.memref_squeeze %dma_start3A_57 : memref<1x128xi32, #tpu.memory_space<vmem>> -> memref<128xi32, #tpu.memory_space<vmem>>
    %dma_start3A_59 = arith.constant 0 : i32
    %dma_start3A_60 = arith.constant 0 : i32
    %dma_start3A_61 = tpu.memref_slice %arg3[%dma_start3A_59, %dma_start3A_60] : memref<1000000x64xf32, #tpu.memory_space<hbm>> -> memref<1000000x64xf32, #tpu.memory_space<hbm>>
    tpu.enqueue_indirect_dma source(%dma_start3A_61 : memref<1000000x64xf32, #tpu.memory_space<hbm>>) target(%dma_start3A_55 : memref<128x64xf32, #tpu.memory_space<vmem>>) offsets(%dma_start3A_58 : memref<128xi32, #tpu.memory_space<vmem>>) semaphore(%arg7 : memref<!tpu.dma_semaphore, #tpu.memory_space<semaphore_mem>>)
    %dma_start3A_62 = arith.constant 5 : i32
    %dma_start3A_63 = arith.constant 5 : i32
    %dma_start3A_64 = arith.constant 0 : i32
    %dma_start3A_65 = arith.constant 0 : i32
    %dma_start3A_66 = tpu.memref_slice %arg6[%dma_start3A_63, %dma_start3A_64, %dma_start3A_65] : memref<8x128x64xf32, #tpu.memory_space<vmem>> -> memref<1x128x64xf32, #tpu.memory_space<vmem>>
    %dma_start3A_67 = tpu.memref_squeeze %dma_start3A_66 : memref<1x128x64xf32, #tpu.memory_space<vmem>> -> memref<128x64xf32, #tpu.memory_space<vmem>>
    %dma_start3A_68 = arith.constant 0 : i32
    %dma_start3A_69 = tpu.memref_slice %arg5[%dma_start3A_62, %dma_start3A_68] : memref<200x128xi32, #tpu.memory_space<vmem>> -> memref<1x128xi32, #tpu.memory_space<vmem>>
    %dma_start3A_70 = tpu.memref_squeeze %dma_start3A_69 : memref<1x128xi32, #tpu.memory_space<vmem>> -> memref<128xi32, #tpu.memory_space<vmem>>
    %dma_start3A_71 = arith.constant 0 : i32
    %dma_start3A_72 = arith.constant 0 : i32
    %dma_start3A_73 = tpu.memref_slice %arg3[%dma_start3A_71, %dma_start3A_72] : memref<1000000x64xf32, #tpu.memory_space<hbm>> -> memref<1000000x64xf32, #tpu.memory_space<hbm>>
    tpu.enqueue_indirect_dma source(%dma_start3A_73 : memref<1000000x64xf32, #tpu.memory_space<hbm>>) target(%dma_start3A_67 : memref<128x64xf32, #tpu.memory_space<vmem>>) offsets(%dma_start3A_70 : memref<128xi32, #tpu.memory_space<vmem>>) semaphore(%arg7 : memref<!tpu.dma_semaphore, #tpu.memory_space<semaphore_mem>>)
    %dma_start3A_74 = arith.constant 6 : i32
    %dma_start3A_75 = arith.constant 6 : i32
    %dma_start3A_76 = arith.constant 0 : i32
    %dma_start3A_77 = arith.constant 0 : i32
    %dma_start3A_78 = tpu.memref_slice %arg6[%dma_start3A_75, %dma_start3A_76, %dma_start3A_77] : memref<8x128x64xf32, #tpu.memory_space<vmem>> -> memref<1x128x64xf32, #tpu.memory_space<vmem>>
    %dma_start3A_79 = tpu.memref_squeeze %dma_start3A_78 : memref<1x128x64xf32, #tpu.memory_space<vmem>> -> memref<128x64xf32, #tpu.memory_space<vmem>>
    %dma_start3A_80 = arith.constant 0 : i32
    %dma_start3A_81 = tpu.memref_slice %arg5[%dma_start3A_74, %dma_start3A_80] : memref<200x128xi32, #tpu.memory_space<vmem>> -> memref<1x128xi32, #tpu.memory_space<vmem>>
    %dma_start3A_82 = tpu.memref_squeeze %dma_start3A_81 : memref<1x128xi32, #tpu.memory_space<vmem>> -> memref<128xi32, #tpu.memory_space<vmem>>
    %dma_start3A_83 = arith.constant 0 : i32
    %dma_start3A_84 = arith.constant 0 : i32
    %dma_start3A_85 = tpu.memref_slice %arg3[%dma_start3A_83, %dma_start3A_84] : memref<1000000x64xf32, #tpu.memory_space<hbm>> -> memref<1000000x64xf32, #tpu.memory_space<hbm>>
    tpu.enqueue_indirect_dma source(%dma_start3A_85 : memref<1000000x64xf32, #tpu.memory_space<hbm>>) target(%dma_start3A_79 : memref<128x64xf32, #tpu.memory_space<vmem>>) offsets(%dma_start3A_82 : memref<128xi32, #tpu.memory_space<vmem>>) semaphore(%arg7 : memref<!tpu.dma_semaphore, #tpu.memory_space<semaphore_mem>>)
    %dma_start3A_86 = arith.constant 7 : i32
    %dma_start3A_87 = arith.constant 7 : i32
    %dma_start3A_88 = arith.constant 0 : i32
    %dma_start3A_89 = arith.constant 0 : i32
    %dma_start3A_90 = tpu.memref_slice %arg6[%dma_start3A_87, %dma_start3A_88, %dma_start3A_89] : memref<8x128x64xf32, #tpu.memory_space<vmem>> -> memref<1x128x64xf32, #tpu.memory_space<vmem>>
    %dma_start3A_91 = tpu.memref_squeeze %dma_start3A_90 : memref<1x128x64xf32, #tpu.memory_space<vmem>> -> memref<128x64xf32, #tpu.memory_space<vmem>>
    %dma_start3A_92 = arith.constant 0 : i32
    %dma_start3A_93 = tpu.memref_slice %arg5[%dma_start3A_86, %dma_start3A_92] : memref<200x128xi32, #tpu.memory_space<vmem>> -> memref<1x128xi32, #tpu.memory_space<vmem>>
    %dma_start3A_94 = tpu.memref_squeeze %dma_start3A_93 : memref<1x128xi32, #tpu.memory_space<vmem>> -> memref<128xi32, #tpu.memory_space<vmem>>
    %dma_start3A_95 = arith.constant 0 : i32
    %dma_start3A_96 = arith.constant 0 : i32
    %dma_start3A_97 = tpu.memref_slice %arg3[%dma_start3A_95, %dma_start3A_96] : memref<1000000x64xf32, #tpu.memory_space<hbm>> -> memref<1000000x64xf32, #tpu.memory_space<hbm>>
    tpu.enqueue_indirect_dma source(%dma_start3A_97 : memref<1000000x64xf32, #tpu.memory_space<hbm>>) target(%dma_start3A_91 : memref<128x64xf32, #tpu.memory_space<vmem>>) offsets(%dma_start3A_94 : memref<128xi32, #tpu.memory_space<vmem>>) semaphore(%arg7 : memref<!tpu.dma_semaphore, #tpu.memory_space<semaphore_mem>>)
    %dma_wait3A = arith.constant 0 : i32
    %dma_wait3A_98 = arith.constant 0 : i32
    %dma_wait3A_99 = arith.constant 0 : i32
    %dma_wait3A_100 = arith.constant 0 : i32
    %dma_wait3A_101 = tpu.memref_slice %arg6[%dma_wait3A_98, %dma_wait3A_99, %dma_wait3A_100] : memref<8x128x64xf32, #tpu.memory_space<vmem>> -> memref<1x128x64xf32, #tpu.memory_space<vmem>>
    %dma_wait3A_102 = tpu.memref_squeeze %dma_wait3A_101 : memref<1x128x64xf32, #tpu.memory_space<vmem>> -> memref<128x64xf32, #tpu.memory_space<vmem>>
    %dma_wait3A_103 = arith.constant 0 : i32
    %dma_wait3A_104 = tpu.memref_slice %arg5[%dma_wait3A, %dma_wait3A_103] : memref<200x128xi32, #tpu.memory_space<vmem>> -> memref<1x128xi32, #tpu.memory_space<vmem>>
    %dma_wait3A_105 = tpu.memref_squeeze %dma_wait3A_104 : memref<1x128xi32, #tpu.memory_space<vmem>> -> memref<128xi32, #tpu.memory_space<vmem>>
    %dma_wait3A_106 = arith.constant 0 : i32
    %dma_wait3A_107 = arith.constant 0 : i32
    %dma_wait3A_108 = tpu.memref_slice %arg3[%dma_wait3A_106, %dma_wait3A_107] : memref<1000000x64xf32, #tpu.memory_space<hbm>> -> memref<1000000x64xf32, #tpu.memory_space<hbm>>
    tpu.wait_indirect_dma semaphore(%arg7 : memref<!tpu.dma_semaphore, #tpu.memory_space<semaphore_mem>>) src(%dma_wait3A_108 : memref<1000000x64xf32, #tpu.memory_space<hbm>>) dst(%dma_wait3A_102 : memref<128x64xf32, #tpu.memory_space<vmem>>)
    %add3A_109 = arith.constant 0 : i32
    %add3A_110 = arith.addi %mul3A_2, %add3A_109 : i32
    %mul3A_111 = arith.constant 128 : i32
    %mul3A_112 = arith.muli %add3A_110, %mul3A_111 : i32
    %dma_start3A_113 = arith.constant 0 : i32
    %dma_start3A_114 = arith.constant 0 : i32
    %dma_start3A_115 = arith.constant 0 : i32
    %dma_start3A_116 = tpu.memref_slice %arg6[%dma_start3A_113, %dma_start3A_114, %dma_start3A_115] : memref<8x128x64xf32, #tpu.memory_space<vmem>> -> memref<1x128x64xf32, #tpu.memory_space<vmem>>
    %dma_start3A_117 = tpu.memref_squeeze %dma_start3A_116 : memref<1x128x64xf32, #tpu.memory_space<vmem>> -> memref<128x64xf32, #tpu.memory_space<vmem>>
    %dma_start3A_118 = arith.constant 0 : i32
    %dma_start3A_119 = tpu.memref_slice %arg4[%mul3A_112, %dma_start3A_118] : memref<819200x64xf32, #tpu.memory_space<hbm>> -> memref<128x64xf32, #tpu.memory_space<hbm>>
    %dma_start3A_120 = arith.constant 0 : i32
    %dma_start3A_121 = tpu.memref_slice %arg4[%mul3A_112, %dma_start3A_120] : memref<819200x64xf32, #tpu.memory_space<hbm>> -> memref<128x64xf32, #tpu.memory_space<hbm>>
    %dma_start3A_122 = arith.constant 0 : i32
    %dma_start3A_123 = arith.constant 0 : i32
    %dma_start3A_124 = tpu.memref_slice %arg6[%dma_start3A_113, %dma_start3A_122, %dma_start3A_123] : memref<8x128x64xf32, #tpu.memory_space<vmem>> -> memref<1x128x64xf32, #tpu.memory_space<vmem>>
    %dma_start3A_125 = tpu.memref_squeeze %dma_start3A_124 : memref<1x128x64xf32, #tpu.memory_space<vmem>> -> memref<128x64xf32, #tpu.memory_space<vmem>>
    tpu.enqueue_dma source(%dma_start3A_125 : memref<128x64xf32, #tpu.memory_space<vmem>>) target(%dma_start3A_121 : memref<128x64xf32, #tpu.memory_space<hbm>>) target_semaphore(%arg8 : memref<!tpu.dma_semaphore, #tpu.memory_space<semaphore_mem>>)
    %dma_wait3A_126 = arith.constant 0 : i32
    %dma_wait3A_127 = arith.constant 1 : i32
    %dma_wait3A_128 = arith.constant 0 : i32
    %dma_wait3A_129 = arith.constant 0 : i32
    %dma_wait3A_130 = tpu.memref_slice %arg6[%dma_wait3A_127, %dma_wait3A_128, %dma_wait3A_129] : memref<8x128x64xf32, #tpu.memory_space<vmem>> -> memref<1x128x64xf32, #tpu.memory_space<vmem>>
    %dma_wait3A_131 = tpu.memref_squeeze %dma_wait3A_130 : memref<1x128x64xf32, #tpu.memory_space<vmem>> -> memref<128x64xf32, #tpu.memory_space<vmem>>
    %dma_wait3A_132 = arith.constant 0 : i32
    %dma_wait3A_133 = tpu.memref_slice %arg5[%dma_wait3A_126, %dma_wait3A_132] : memref<200x128xi32, #tpu.memory_space<vmem>> -> memref<1x128xi32, #tpu.memory_space<vmem>>
    %dma_wait3A_134 = tpu.memref_squeeze %dma_wait3A_133 : memref<1x128xi32, #tpu.memory_space<vmem>> -> memref<128xi32, #tpu.memory_space<vmem>>
    %dma_wait3A_135 = arith.constant 0 : i32
    %dma_wait3A_136 = arith.constant 0 : i32
    %dma_wait3A_137 = tpu.memref_slice %arg3[%dma_wait3A_135, %dma_wait3A_136] : memref<1000000x64xf32, #tpu.memory_space<hbm>> -> memref<1000000x64xf32, #tpu.memory_space<hbm>>
    tpu.wait_indirect_dma semaphore(%arg7 : memref<!tpu.dma_semaphore, #tpu.memory_space<semaphore_mem>>) src(%dma_wait3A_137 : memref<1000000x64xf32, #tpu.memory_space<hbm>>) dst(%dma_wait3A_131 : memref<128x64xf32, #tpu.memory_space<vmem>>)
    %add3A_138 = arith.constant 1 : i32
    %add3A_139 = arith.addi %mul3A_2, %add3A_138 : i32
    %mul3A_140 = arith.constant 128 : i32
    %mul3A_141 = arith.muli %add3A_139, %mul3A_140 : i32
    %dma_start3A_142 = arith.constant 1 : i32
    %dma_start3A_143 = arith.constant 0 : i32
    %dma_start3A_144 = arith.constant 0 : i32
    %dma_start3A_145 = tpu.memref_slice %arg6[%dma_start3A_142, %dma_start3A_143, %dma_start3A_144] : memref<8x128x64xf32, #tpu.memory_space<vmem>> -> memref<1x128x64xf32, #tpu.memory_space<vmem>>
    %dma_start3A_146 = tpu.memref_squeeze %dma_start3A_145 : memref<1x128x64xf32, #tpu.memory_space<vmem>> -> memref<128x64xf32, #tpu.memory_space<vmem>>
    %dma_start3A_147 = arith.constant 0 : i32
    %dma_start3A_148 = tpu.memref_slice %arg4[%mul3A_141, %dma_start3A_147] : memref<819200x64xf32, #tpu.memory_space<hbm>> -> memref<128x64xf32, #tpu.memory_space<hbm>>
    %dma_start3A_149 = arith.constant 0 : i32
    %dma_start3A_150 = tpu.memref_slice %arg4[%mul3A_141, %dma_start3A_149] : memref<819200x64xf32, #tpu.memory_space<hbm>> -> memref<128x64xf32, #tpu.memory_space<hbm>>
    %dma_start3A_151 = arith.constant 0 : i32
    %dma_start3A_152 = arith.constant 0 : i32
    %dma_start3A_153 = tpu.memref_slice %arg6[%dma_start3A_142, %dma_start3A_151, %dma_start3A_152] : memref<8x128x64xf32, #tpu.memory_space<vmem>> -> memref<1x128x64xf32, #tpu.memory_space<vmem>>
    %dma_start3A_154 = tpu.memref_squeeze %dma_start3A_153 : memref<1x128x64xf32, #tpu.memory_space<vmem>> -> memref<128x64xf32, #tpu.memory_space<vmem>>
    tpu.enqueue_dma source(%dma_start3A_154 : memref<128x64xf32, #tpu.memory_space<vmem>>) target(%dma_start3A_150 : memref<128x64xf32, #tpu.memory_space<hbm>>) target_semaphore(%arg8 : memref<!tpu.dma_semaphore, #tpu.memory_space<semaphore_mem>>)
    %dma_wait3A_155 = arith.constant 0 : i32
    %dma_wait3A_156 = arith.constant 2 : i32
    %dma_wait3A_157 = arith.constant 0 : i32
    %dma_wait3A_158 = arith.constant 0 : i32
    %dma_wait3A_159 = tpu.memref_slice %arg6[%dma_wait3A_156, %dma_wait3A_157, %dma_wait3A_158] : memref<8x128x64xf32, #tpu.memory_space<vmem>> -> memref<1x128x64xf32, #tpu.memory_space<vmem>>
    %dma_wait3A_160 = tpu.memref_squeeze %dma_wait3A_159 : memref<1x128x64xf32, #tpu.memory_space<vmem>> -> memref<128x64xf32, #tpu.memory_space<vmem>>
    %dma_wait3A_161 = arith.constant 0 : i32
    %dma_wait3A_162 = tpu.memref_slice %arg5[%dma_wait3A_155, %dma_wait3A_161] : memref<200x128xi32, #tpu.memory_space<vmem>> -> memref<1x128xi32, #tpu.memory_space<vmem>>
    %dma_wait3A_163 = tpu.memref_squeeze %dma_wait3A_162 : memref<1x128xi32, #tpu.memory_space<vmem>> -> memref<128xi32, #tpu.memory_space<vmem>>
    %dma_wait3A_164 = arith.constant 0 : i32
    %dma_wait3A_165 = arith.constant 0 : i32
    %dma_wait3A_166 = tpu.memref_slice %arg3[%dma_wait3A_164, %dma_wait3A_165] : memref<1000000x64xf32, #tpu.memory_space<hbm>> -> memref<1000000x64xf32, #tpu.memory_space<hbm>>
    tpu.wait_indirect_dma semaphore(%arg7 : memref<!tpu.dma_semaphore, #tpu.memory_space<semaphore_mem>>) src(%dma_wait3A_166 : memref<1000000x64xf32, #tpu.memory_space<hbm>>) dst(%dma_wait3A_160 : memref<128x64xf32, #tpu.memory_space<vmem>>)
    %add3A_167 = arith.constant 2 : i32
    %add3A_168 = arith.addi %mul3A_2, %add3A_167 : i32
    %mul3A_169 = arith.constant 128 : i32
    %mul3A_170 = arith.muli %add3A_168, %mul3A_169 : i32
    %dma_start3A_171 = arith.constant 2 : i32
    %dma_start3A_172 = arith.constant 0 : i32
    %dma_start3A_173 = arith.constant 0 : i32
    %dma_start3A_174 = tpu.memref_slice %arg6[%dma_start3A_171, %dma_start3A_172, %dma_start3A_173] : memref<8x128x64xf32, #tpu.memory_space<vmem>> -> memref<1x128x64xf32, #tpu.memory_space<vmem>>
    %dma_start3A_175 = tpu.memref_squeeze %dma_start3A_174 : memref<1x128x64xf32, #tpu.memory_space<vmem>> -> memref<128x64xf32, #tpu.memory_space<vmem>>
    %dma_start3A_176 = arith.constant 0 : i32
    %dma_start3A_177 = tpu.memref_slice %arg4[%mul3A_170, %dma_start3A_176] : memref<819200x64xf32, #tpu.memory_space<hbm>> -> memref<128x64xf32, #tpu.memory_space<hbm>>
    %dma_start3A_178 = arith.constant 0 : i32
    %dma_start3A_179 = tpu.memref_slice %arg4[%mul3A_170, %dma_start3A_178] : memref<819200x64xf32, #tpu.memory_space<hbm>> -> memref<128x64xf32, #tpu.memory_space<hbm>>
    %dma_start3A_180 = arith.constant 0 : i32
    %dma_start3A_181 = arith.constant 0 : i32
    %dma_start3A_182 = tpu.memref_slice %arg6[%dma_start3A_171, %dma_start3A_180, %dma_start3A_181] : memref<8x128x64xf32, #tpu.memory_space<vmem>> -> memref<1x128x64xf32, #tpu.memory_space<vmem>>
    %dma_start3A_183 = tpu.memref_squeeze %dma_start3A_182 : memref<1x128x64xf32, #tpu.memory_space<vmem>> -> memref<128x64xf32, #tpu.memory_space<vmem>>
    tpu.enqueue_dma source(%dma_start3A_183 : memref<128x64xf32, #tpu.memory_space<vmem>>) target(%dma_start3A_179 : memref<128x64xf32, #tpu.memory_space<hbm>>) target_semaphore(%arg8 : memref<!tpu.dma_semaphore, #tpu.memory_space<semaphore_mem>>)
    %dma_wait3A_184 = arith.constant 0 : i32
    %dma_wait3A_185 = arith.constant 3 : i32
    %dma_wait3A_186 = arith.constant 0 : i32
    %dma_wait3A_187 = arith.constant 0 : i32
    %dma_wait3A_188 = tpu.memref_slice %arg6[%dma_wait3A_185, %dma_wait3A_186, %dma_wait3A_187] : memref<8x128x64xf32, #tpu.memory_space<vmem>> -> memref<1x128x64xf32, #tpu.memory_space<vmem>>
    %dma_wait3A_189 = tpu.memref_squeeze %dma_wait3A_188 : memref<1x128x64xf32, #tpu.memory_space<vmem>> -> memref<128x64xf32, #tpu.memory_space<vmem>>
    %dma_wait3A_190 = arith.constant 0 : i32
    %dma_wait3A_191 = tpu.memref_slice %arg5[%dma_wait3A_184, %dma_wait3A_190] : memref<200x128xi32, #tpu.memory_space<vmem>> -> memref<1x128xi32, #tpu.memory_space<vmem>>
    %dma_wait3A_192 = tpu.memref_squeeze %dma_wait3A_191 : memref<1x128xi32, #tpu.memory_space<vmem>> -> memref<128xi32, #tpu.memory_space<vmem>>
    %dma_wait3A_193 = arith.constant 0 : i32
    %dma_wait3A_194 = arith.constant 0 : i32
    %dma_wait3A_195 = tpu.memref_slice %arg3[%dma_wait3A_193, %dma_wait3A_194] : memref<1000000x64xf32, #tpu.memory_space<hbm>> -> memref<1000000x64xf32, #tpu.memory_space<hbm>>
    tpu.wait_indirect_dma semaphore(%arg7 : memref<!tpu.dma_semaphore, #tpu.memory_space<semaphore_mem>>) src(%dma_wait3A_195 : memref<1000000x64xf32, #tpu.memory_space<hbm>>) dst(%dma_wait3A_189 : memref<128x64xf32, #tpu.memory_space<vmem>>)
    %add3A_196 = arith.constant 3 : i32
    %add3A_197 = arith.addi %mul3A_2, %add3A_196 : i32
    %mul3A_198 = arith.constant 128 : i32
    %mul3A_199 = arith.muli %add3A_197, %mul3A_198 : i32
    %dma_start3A_200 = arith.constant 3 : i32
    %dma_start3A_201 = arith.constant 0 : i32
    %dma_start3A_202 = arith.constant 0 : i32
    %dma_start3A_203 = tpu.memref_slice %arg6[%dma_start3A_200, %dma_start3A_201, %dma_start3A_202] : memref<8x128x64xf32, #tpu.memory_space<vmem>> -> memref<1x128x64xf32, #tpu.memory_space<vmem>>
    %dma_start3A_204 = tpu.memref_squeeze %dma_start3A_203 : memref<1x128x64xf32, #tpu.memory_space<vmem>> -> memref<128x64xf32, #tpu.memory_space<vmem>>
    %dma_start3A_205 = arith.constant 0 : i32
    %dma_start3A_206 = tpu.memref_slice %arg4[%mul3A_199, %dma_start3A_205] : memref<819200x64xf32, #tpu.memory_space<hbm>> -> memref<128x64xf32, #tpu.memory_space<hbm>>
    %dma_start3A_207 = arith.constant 0 : i32
    %dma_start3A_208 = tpu.memref_slice %arg4[%mul3A_199, %dma_start3A_207] : memref<819200x64xf32, #tpu.memory_space<hbm>> -> memref<128x64xf32, #tpu.memory_space<hbm>>
    %dma_start3A_209 = arith.constant 0 : i32
    %dma_start3A_210 = arith.constant 0 : i32
    %dma_start3A_211 = tpu.memref_slice %arg6[%dma_start3A_200, %dma_start3A_209, %dma_start3A_210] : memref<8x128x64xf32, #tpu.memory_space<vmem>> -> memref<1x128x64xf32, #tpu.memory_space<vmem>>
    %dma_start3A_212 = tpu.memref_squeeze %dma_start3A_211 : memref<1x128x64xf32, #tpu.memory_space<vmem>> -> memref<128x64xf32, #tpu.memory_space<vmem>>
    tpu.enqueue_dma source(%dma_start3A_212 : memref<128x64xf32, #tpu.memory_space<vmem>>) target(%dma_start3A_208 : memref<128x64xf32, #tpu.memory_space<hbm>>) target_semaphore(%arg8 : memref<!tpu.dma_semaphore, #tpu.memory_space<semaphore_mem>>)
    %dma_wait3A_213 = arith.constant 0 : i32
    %dma_wait3A_214 = arith.constant 4 : i32
    %dma_wait3A_215 = arith.constant 0 : i32
    %dma_wait3A_216 = arith.constant 0 : i32
    %dma_wait3A_217 = tpu.memref_slice %arg6[%dma_wait3A_214, %dma_wait3A_215, %dma_wait3A_216] : memref<8x128x64xf32, #tpu.memory_space<vmem>> -> memref<1x128x64xf32, #tpu.memory_space<vmem>>
    %dma_wait3A_218 = tpu.memref_squeeze %dma_wait3A_217 : memref<1x128x64xf32, #tpu.memory_space<vmem>> -> memref<128x64xf32, #tpu.memory_space<vmem>>
    %dma_wait3A_219 = arith.constant 0 : i32
    %dma_wait3A_220 = tpu.memref_slice %arg5[%dma_wait3A_213, %dma_wait3A_219] : memref<200x128xi32, #tpu.memory_space<vmem>> -> memref<1x128xi32, #tpu.memory_space<vmem>>
    %dma_wait3A_221 = tpu.memref_squeeze %dma_wait3A_220 : memref<1x128xi32, #tpu.memory_space<vmem>> -> memref<128xi32, #tpu.memory_space<vmem>>
    %dma_wait3A_222 = arith.constant 0 : i32
    %dma_wait3A_223 = arith.constant 0 : i32
    %dma_wait3A_224 = tpu.memref_slice %arg3[%dma_wait3A_222, %dma_wait3A_223] : memref<1000000x64xf32, #tpu.memory_space<hbm>> -> memref<1000000x64xf32, #tpu.memory_space<hbm>>
    tpu.wait_indirect_dma semaphore(%arg7 : memref<!tpu.dma_semaphore, #tpu.memory_space<semaphore_mem>>) src(%dma_wait3A_224 : memref<1000000x64xf32, #tpu.memory_space<hbm>>) dst(%dma_wait3A_218 : memref<128x64xf32, #tpu.memory_space<vmem>>)
    %add3A_225 = arith.constant 4 : i32
    %add3A_226 = arith.addi %mul3A_2, %add3A_225 : i32
    %mul3A_227 = arith.constant 128 : i32
    %mul3A_228 = arith.muli %add3A_226, %mul3A_227 : i32
    %dma_start3A_229 = arith.constant 4 : i32
    %dma_start3A_230 = arith.constant 0 : i32
    %dma_start3A_231 = arith.constant 0 : i32
    %dma_start3A_232 = tpu.memref_slice %arg6[%dma_start3A_229, %dma_start3A_230, %dma_start3A_231] : memref<8x128x64xf32, #tpu.memory_space<vmem>> -> memref<1x128x64xf32, #tpu.memory_space<vmem>>
    %dma_start3A_233 = tpu.memref_squeeze %dma_start3A_232 : memref<1x128x64xf32, #tpu.memory_space<vmem>> -> memref<128x64xf32, #tpu.memory_space<vmem>>
    %dma_start3A_234 = arith.constant 0 : i32
    %dma_start3A_235 = tpu.memref_slice %arg4[%mul3A_228, %dma_start3A_234] : memref<819200x64xf32, #tpu.memory_space<hbm>> -> memref<128x64xf32, #tpu.memory_space<hbm>>
    %dma_start3A_236 = arith.constant 0 : i32
    %dma_start3A_237 = tpu.memref_slice %arg4[%mul3A_228, %dma_start3A_236] : memref<819200x64xf32, #tpu.memory_space<hbm>> -> memref<128x64xf32, #tpu.memory_space<hbm>>
    %dma_start3A_238 = arith.constant 0 : i32
    %dma_start3A_239 = arith.constant 0 : i32
    %dma_start3A_240 = tpu.memref_slice %arg6[%dma_start3A_229, %dma_start3A_238, %dma_start3A_239] : memref<8x128x64xf32, #tpu.memory_space<vmem>> -> memref<1x128x64xf32, #tpu.memory_space<vmem>>
    %dma_start3A_241 = tpu.memref_squeeze %dma_start3A_240 : memref<1x128x64xf32, #tpu.memory_space<vmem>> -> memref<128x64xf32, #tpu.memory_space<vmem>>
    tpu.enqueue_dma source(%dma_start3A_241 : memref<128x64xf32, #tpu.memory_space<vmem>>) target(%dma_start3A_237 : memref<128x64xf32, #tpu.memory_space<hbm>>) target_semaphore(%arg8 : memref<!tpu.dma_semaphore, #tpu.memory_space<semaphore_mem>>)
    %dma_wait3A_242 = arith.constant 0 : i32
    %dma_wait3A_243 = arith.constant 5 : i32
    %dma_wait3A_244 = arith.constant 0 : i32
    %dma_wait3A_245 = arith.constant 0 : i32
    %dma_wait3A_246 = tpu.memref_slice %arg6[%dma_wait3A_243, %dma_wait3A_244, %dma_wait3A_245] : memref<8x128x64xf32, #tpu.memory_space<vmem>> -> memref<1x128x64xf32, #tpu.memory_space<vmem>>
    %dma_wait3A_247 = tpu.memref_squeeze %dma_wait3A_246 : memref<1x128x64xf32, #tpu.memory_space<vmem>> -> memref<128x64xf32, #tpu.memory_space<vmem>>
    %dma_wait3A_248 = arith.constant 0 : i32
    %dma_wait3A_249 = tpu.memref_slice %arg5[%dma_wait3A_242, %dma_wait3A_248] : memref<200x128xi32, #tpu.memory_space<vmem>> -> memref<1x128xi32, #tpu.memory_space<vmem>>
    %dma_wait3A_250 = tpu.memref_squeeze %dma_wait3A_249 : memref<1x128xi32, #tpu.memory_space<vmem>> -> memref<128xi32, #tpu.memory_space<vmem>>
    %dma_wait3A_251 = arith.constant 0 : i32
    %dma_wait3A_252 = arith.constant 0 : i32
    %dma_wait3A_253 = tpu.memref_slice %arg3[%dma_wait3A_251, %dma_wait3A_252] : memref<1000000x64xf32, #tpu.memory_space<hbm>> -> memref<1000000x64xf32, #tpu.memory_space<hbm>>
    tpu.wait_indirect_dma semaphore(%arg7 : memref<!tpu.dma_semaphore, #tpu.memory_space<semaphore_mem>>) src(%dma_wait3A_253 : memref<1000000x64xf32, #tpu.memory_space<hbm>>) dst(%dma_wait3A_247 : memref<128x64xf32, #tpu.memory_space<vmem>>)
    %add3A_254 = arith.constant 5 : i32
    %add3A_255 = arith.addi %mul3A_2, %add3A_254 : i32
    %mul3A_256 = arith.constant 128 : i32
    %mul3A_257 = arith.muli %add3A_255, %mul3A_256 : i32
    %dma_start3A_258 = arith.constant 5 : i32
    %dma_start3A_259 = arith.constant 0 : i32
    %dma_start3A_260 = arith.constant 0 : i32
    %dma_start3A_261 = tpu.memref_slice %arg6[%dma_start3A_258, %dma_start3A_259, %dma_start3A_260] : memref<8x128x64xf32, #tpu.memory_space<vmem>> -> memref<1x128x64xf32, #tpu.memory_space<vmem>>
    %dma_start3A_262 = tpu.memref_squeeze %dma_start3A_261 : memref<1x128x64xf32, #tpu.memory_space<vmem>> -> memref<128x64xf32, #tpu.memory_space<vmem>>
    %dma_start3A_263 = arith.constant 0 : i32
    %dma_start3A_264 = tpu.memref_slice %arg4[%mul3A_257, %dma_start3A_263] : memref<819200x64xf32, #tpu.memory_space<hbm>> -> memref<128x64xf32, #tpu.memory_space<hbm>>
    %dma_start3A_265 = arith.constant 0 : i32
    %dma_start3A_266 = tpu.memref_slice %arg4[%mul3A_257, %dma_start3A_265] : memref<819200x64xf32, #tpu.memory_space<hbm>> -> memref<128x64xf32, #tpu.memory_space<hbm>>
    %dma_start3A_267 = arith.constant 0 : i32
    %dma_start3A_268 = arith.constant 0 : i32
    %dma_start3A_269 = tpu.memref_slice %arg6[%dma_start3A_258, %dma_start3A_267, %dma_start3A_268] : memref<8x128x64xf32, #tpu.memory_space<vmem>> -> memref<1x128x64xf32, #tpu.memory_space<vmem>>
    %dma_start3A_270 = tpu.memref_squeeze %dma_start3A_269 : memref<1x128x64xf32, #tpu.memory_space<vmem>> -> memref<128x64xf32, #tpu.memory_space<vmem>>
    tpu.enqueue_dma source(%dma_start3A_270 : memref<128x64xf32, #tpu.memory_space<vmem>>) target(%dma_start3A_266 : memref<128x64xf32, #tpu.memory_space<hbm>>) target_semaphore(%arg8 : memref<!tpu.dma_semaphore, #tpu.memory_space<semaphore_mem>>)
    %dma_wait3A_271 = arith.constant 0 : i32
    %dma_wait3A_272 = arith.constant 6 : i32
    %dma_wait3A_273 = arith.constant 0 : i32
    %dma_wait3A_274 = arith.constant 0 : i32
    %dma_wait3A_275 = tpu.memref_slice %arg6[%dma_wait3A_272, %dma_wait3A_273, %dma_wait3A_274] : memref<8x128x64xf32, #tpu.memory_space<vmem>> -> memref<1x128x64xf32, #tpu.memory_space<vmem>>
    %dma_wait3A_276 = tpu.memref_squeeze %dma_wait3A_275 : memref<1x128x64xf32, #tpu.memory_space<vmem>> -> memref<128x64xf32, #tpu.memory_space<vmem>>
    %dma_wait3A_277 = arith.constant 0 : i32
    %dma_wait3A_278 = tpu.memref_slice %arg5[%dma_wait3A_271, %dma_wait3A_277] : memref<200x128xi32, #tpu.memory_space<vmem>> -> memref<1x128xi32, #tpu.memory_space<vmem>>
    %dma_wait3A_279 = tpu.memref_squeeze %dma_wait3A_278 : memref<1x128xi32, #tpu.memory_space<vmem>> -> memref<128xi32, #tpu.memory_space<vmem>>
    %dma_wait3A_280 = arith.constant 0 : i32
    %dma_wait3A_281 = arith.constant 0 : i32
    %dma_wait3A_282 = tpu.memref_slice %arg3[%dma_wait3A_280, %dma_wait3A_281] : memref<1000000x64xf32, #tpu.memory_space<hbm>> -> memref<1000000x64xf32, #tpu.memory_space<hbm>>
    tpu.wait_indirect_dma semaphore(%arg7 : memref<!tpu.dma_semaphore, #tpu.memory_space<semaphore_mem>>) src(%dma_wait3A_282 : memref<1000000x64xf32, #tpu.memory_space<hbm>>) dst(%dma_wait3A_276 : memref<128x64xf32, #tpu.memory_space<vmem>>)
    %add3A_283 = arith.constant 6 : i32
    %add3A_284 = arith.addi %mul3A_2, %add3A_283 : i32
    %mul3A_285 = arith.constant 128 : i32
    %mul3A_286 = arith.muli %add3A_284, %mul3A_285 : i32
    %dma_start3A_287 = arith.constant 6 : i32
    %dma_start3A_288 = arith.constant 0 : i32
    %dma_start3A_289 = arith.constant 0 : i32
    %dma_start3A_290 = tpu.memref_slice %arg6[%dma_start3A_287, %dma_start3A_288, %dma_start3A_289] : memref<8x128x64xf32, #tpu.memory_space<vmem>> -> memref<1x128x64xf32, #tpu.memory_space<vmem>>
    %dma_start3A_291 = tpu.memref_squeeze %dma_start3A_290 : memref<1x128x64xf32, #tpu.memory_space<vmem>> -> memref<128x64xf32, #tpu.memory_space<vmem>>
    %dma_start3A_292 = arith.constant 0 : i32
    %dma_start3A_293 = tpu.memref_slice %arg4[%mul3A_286, %dma_start3A_292] : memref<819200x64xf32, #tpu.memory_space<hbm>> -> memref<128x64xf32, #tpu.memory_space<hbm>>
    %dma_start3A_294 = arith.constant 0 : i32
    %dma_start3A_295 = tpu.memref_slice %arg4[%mul3A_286, %dma_start3A_294] : memref<819200x64xf32, #tpu.memory_space<hbm>> -> memref<128x64xf32, #tpu.memory_space<hbm>>
    %dma_start3A_296 = arith.constant 0 : i32
    %dma_start3A_297 = arith.constant 0 : i32
    %dma_start3A_298 = tpu.memref_slice %arg6[%dma_start3A_287, %dma_start3A_296, %dma_start3A_297] : memref<8x128x64xf32, #tpu.memory_space<vmem>> -> memref<1x128x64xf32, #tpu.memory_space<vmem>>
    %dma_start3A_299 = tpu.memref_squeeze %dma_start3A_298 : memref<1x128x64xf32, #tpu.memory_space<vmem>> -> memref<128x64xf32, #tpu.memory_space<vmem>>
    tpu.enqueue_dma source(%dma_start3A_299 : memref<128x64xf32, #tpu.memory_space<vmem>>) target(%dma_start3A_295 : memref<128x64xf32, #tpu.memory_space<hbm>>) target_semaphore(%arg8 : memref<!tpu.dma_semaphore, #tpu.memory_space<semaphore_mem>>)
    %dma_wait3A_300 = arith.constant 0 : i32
    %dma_wait3A_301 = arith.constant 7 : i32
    %dma_wait3A_302 = arith.constant 0 : i32
    %dma_wait3A_303 = arith.constant 0 : i32
    %dma_wait3A_304 = tpu.memref_slice %arg6[%dma_wait3A_301, %dma_wait3A_302, %dma_wait3A_303] : memref<8x128x64xf32, #tpu.memory_space<vmem>> -> memref<1x128x64xf32, #tpu.memory_space<vmem>>
    %dma_wait3A_305 = tpu.memref_squeeze %dma_wait3A_304 : memref<1x128x64xf32, #tpu.memory_space<vmem>> -> memref<128x64xf32, #tpu.memory_space<vmem>>
    %dma_wait3A_306 = arith.constant 0 : i32
    %dma_wait3A_307 = tpu.memref_slice %arg5[%dma_wait3A_300, %dma_wait3A_306] : memref<200x128xi32, #tpu.memory_space<vmem>> -> memref<1x128xi32, #tpu.memory_space<vmem>>
    %dma_wait3A_308 = tpu.memref_squeeze %dma_wait3A_307 : memref<1x128xi32, #tpu.memory_space<vmem>> -> memref<128xi32, #tpu.memory_space<vmem>>
    %dma_wait3A_309 = arith.constant 0 : i32
    %dma_wait3A_310 = arith.constant 0 : i32
    %dma_wait3A_311 = tpu.memref_slice %arg3[%dma_wait3A_309, %dma_wait3A_310] : memref<1000000x64xf32, #tpu.memory_space<hbm>> -> memref<1000000x64xf32, #tpu.memory_space<hbm>>
    tpu.wait_indirect_dma semaphore(%arg7 : memref<!tpu.dma_semaphore, #tpu.memory_space<semaphore_mem>>) src(%dma_wait3A_311 : memref<1000000x64xf32, #tpu.memory_space<hbm>>) dst(%dma_wait3A_305 : memref<128x64xf32, #tpu.memory_space<vmem>>)
    %add3A_312 = arith.constant 7 : i32
    %add3A_313 = arith.addi %mul3A_2, %add3A_312 : i32
    %mul3A_314 = arith.constant 128 : i32
    %mul3A_315 = arith.muli %add3A_313, %mul3A_314 : i32
    %dma_start3A_316 = arith.constant 7 : i32
    %dma_start3A_317 = arith.constant 0 : i32
    %dma_start3A_318 = arith.constant 0 : i32
    %dma_start3A_319 = tpu.memref_slice %arg6[%dma_start3A_316, %dma_start3A_317, %dma_start3A_318] : memref<8x128x64xf32, #tpu.memory_space<vmem>> -> memref<1x128x64xf32, #tpu.memory_space<vmem>>
    %dma_start3A_320 = tpu.memref_squeeze %dma_start3A_319 : memref<1x128x64xf32, #tpu.memory_space<vmem>> -> memref<128x64xf32, #tpu.memory_space<vmem>>
    %dma_start3A_321 = arith.constant 0 : i32
    %dma_start3A_322 = tpu.memref_slice %arg4[%mul3A_315, %dma_start3A_321] : memref<819200x64xf32, #tpu.memory_space<hbm>> -> memref<128x64xf32, #tpu.memory_space<hbm>>
    %dma_start3A_323 = arith.constant 0 : i32
    %dma_start3A_324 = tpu.memref_slice %arg4[%mul3A_315, %dma_start3A_323] : memref<819200x64xf32, #tpu.memory_space<hbm>> -> memref<128x64xf32, #tpu.memory_space<hbm>>
    %dma_start3A_325 = arith.constant 0 : i32
    %dma_start3A_326 = arith.constant 0 : i32
    %dma_start3A_327 = tpu.memref_slice %arg6[%dma_start3A_316, %dma_start3A_325, %dma_start3A_326] : memref<8x128x64xf32, #tpu.memory_space<vmem>> -> memref<1x128x64xf32, #tpu.memory_space<vmem>>
    %dma_start3A_328 = tpu.memref_squeeze %dma_start3A_327 : memref<1x128x64xf32, #tpu.memory_space<vmem>> -> memref<128x64xf32, #tpu.memory_space<vmem>>
    tpu.enqueue_dma source(%dma_start3A_328 : memref<128x64xf32, #tpu.memory_space<vmem>>) target(%dma_start3A_324 : memref<128x64xf32, #tpu.memory_space<hbm>>) target_semaphore(%arg8 : memref<!tpu.dma_semaphore, #tpu.memory_space<semaphore_mem>>)
    %scan3A = arith.constant 0 : i32
    %scan3A_329 = arith.constant 24 : i32
    %scan3A_330 = arith.addi %scan3A, %scan3A_329 : i32
    %scan3A_331 = arith.constant 1 : i32
    scf.for %scan3A_453 = %scan3A to %scan3A_330 step %scan3A_331  : i32 {
      %mul3A_454 = arith.constant 8 : i32
      %mul3A_455 = arith.muli %scan3A_453, %mul3A_454 : i32
      %add3A_456 = arith.constant 8 : i32
      %add3A_457 = arith.addi %add3A_456, %mul3A_455 : i32
      %dma_wait3A_458 = arith.constant 0 : i32
      %dma_wait3A_459 = arith.constant 0 : i32
      %dma_wait3A_460 = arith.constant 0 : i32
      %dma_wait3A_461 = tpu.memref_slice %arg6[%dma_wait3A_458, %dma_wait3A_459, %dma_wait3A_460] : memref<8x128x64xf32, #tpu.memory_space<vmem>> -> memref<1x128x64xf32, #tpu.memory_space<vmem>>
      %dma_wait3A_462 = tpu.memref_squeeze %dma_wait3A_461 : memref<1x128x64xf32, #tpu.memory_space<vmem>> -> memref<128x64xf32, #tpu.memory_space<vmem>>
      %dma_wait3A_463 = arith.constant 0 : i32
      %dma_wait3A_464 = arith.constant 0 : i32
      %dma_wait3A_465 = tpu.memref_slice %arg4[%dma_wait3A_463, %dma_wait3A_464] : memref<819200x64xf32, #tpu.memory_space<hbm>> -> memref<128x64xf32, #tpu.memory_space<hbm>>
      %dma_wait3A_466 = arith.constant 0 : i32
      %dma_wait3A_467 = arith.constant 0 : i32
      %dma_wait3A_468 = tpu.memref_slice %arg4[%dma_wait3A_466, %dma_wait3A_467] : memref<819200x64xf32, #tpu.memory_space<hbm>> -> memref<128x64xf32, #tpu.memory_space<hbm>>
      %dma_wait3A_469 = arith.constant 0 : i32
      %dma_wait3A_470 = arith.constant 0 : i32
      %dma_wait3A_471 = tpu.memref_slice %arg6[%dma_wait3A_458, %dma_wait3A_469, %dma_wait3A_470] : memref<8x128x64xf32, #tpu.memory_space<vmem>> -> memref<1x128x64xf32, #tpu.memory_space<vmem>>
      %dma_wait3A_472 = tpu.memref_squeeze %dma_wait3A_471 : memref<1x128x64xf32, #tpu.memory_space<vmem>> -> memref<128x64xf32, #tpu.memory_space<vmem>>
      tpu.wait_dma2 semaphore(%arg8 : memref<!tpu.dma_semaphore, #tpu.memory_space<semaphore_mem>>) src(%dma_wait3A_472 : memref<128x64xf32, #tpu.memory_space<vmem>>) dst(%dma_wait3A_468 : memref<128x64xf32, #tpu.memory_space<hbm>>)
      %add3A_473 = arith.constant 0 : i32
      %add3A_474 = arith.addi %add3A_457, %add3A_473 : i32
      %dma_start3A_475 = arith.constant 0 : i32
      %dma_start3A_476 = arith.constant 0 : i32
      %dma_start3A_477 = arith.constant 0 : i32
      %dma_start3A_478 = tpu.memref_slice %arg6[%dma_start3A_475, %dma_start3A_476, %dma_start3A_477] : memref<8x128x64xf32, #tpu.memory_space<vmem>> -> memref<1x128x64xf32, #tpu.memory_space<vmem>>
      %dma_start3A_479 = tpu.memref_squeeze %dma_start3A_478 : memref<1x128x64xf32, #tpu.memory_space<vmem>> -> memref<128x64xf32, #tpu.memory_space<vmem>>
      %dma_start3A_480 = arith.constant 0 : i32
      %dma_start3A_481 = tpu.memref_slice %arg5[%add3A_474, %dma_start3A_480] : memref<200x128xi32, #tpu.memory_space<vmem>> -> memref<1x128xi32, #tpu.memory_space<vmem>>
      %dma_start3A_482 = tpu.memref_squeeze %dma_start3A_481 : memref<1x128xi32, #tpu.memory_space<vmem>> -> memref<128xi32, #tpu.memory_space<vmem>>
      %dma_start3A_483 = arith.constant 0 : i32
      %dma_start3A_484 = arith.constant 0 : i32
      %dma_start3A_485 = tpu.memref_slice %arg3[%dma_start3A_483, %dma_start3A_484] : memref<1000000x64xf32, #tpu.memory_space<hbm>> -> memref<1000000x64xf32, #tpu.memory_space<hbm>>
      tpu.enqueue_indirect_dma source(%dma_start3A_485 : memref<1000000x64xf32, #tpu.memory_space<hbm>>) target(%dma_start3A_479 : memref<128x64xf32, #tpu.memory_space<vmem>>) offsets(%dma_start3A_482 : memref<128xi32, #tpu.memory_space<vmem>>) semaphore(%arg7 : memref<!tpu.dma_semaphore, #tpu.memory_space<semaphore_mem>>)
      %dma_wait3A_486 = arith.constant 1 : i32
      %dma_wait3A_487 = arith.constant 0 : i32
      %dma_wait3A_488 = arith.constant 0 : i32
      %dma_wait3A_489 = tpu.memref_slice %arg6[%dma_wait3A_486, %dma_wait3A_487, %dma_wait3A_488] : memref<8x128x64xf32, #tpu.memory_space<vmem>> -> memref<1x128x64xf32, #tpu.memory_space<vmem>>
      %dma_wait3A_490 = tpu.memref_squeeze %dma_wait3A_489 : memref<1x128x64xf32, #tpu.memory_space<vmem>> -> memref<128x64xf32, #tpu.memory_space<vmem>>
      %dma_wait3A_491 = arith.constant 0 : i32
      %dma_wait3A_492 = arith.constant 0 : i32
      %dma_wait3A_493 = tpu.memref_slice %arg4[%dma_wait3A_491, %dma_wait3A_492] : memref<819200x64xf32, #tpu.memory_space<hbm>> -> memref<128x64xf32, #tpu.memory_space<hbm>>
      %dma_wait3A_494 = arith.constant 0 : i32
      %dma_wait3A_495 = arith.constant 0 : i32
      %dma_wait3A_496 = tpu.memref_slice %arg4[%dma_wait3A_494, %dma_wait3A_495] : memref<819200x64xf32, #tpu.memory_space<hbm>> -> memref<128x64xf32, #tpu.memory_space<hbm>>
      %dma_wait3A_497 = arith.constant 0 : i32
      %dma_wait3A_498 = arith.constant 0 : i32
      %dma_wait3A_499 = tpu.memref_slice %arg6[%dma_wait3A_486, %dma_wait3A_497, %dma_wait3A_498] : memref<8x128x64xf32, #tpu.memory_space<vmem>> -> memref<1x128x64xf32, #tpu.memory_space<vmem>>
      %dma_wait3A_500 = tpu.memref_squeeze %dma_wait3A_499 : memref<1x128x64xf32, #tpu.memory_space<vmem>> -> memref<128x64xf32, #tpu.memory_space<vmem>>
      tpu.wait_dma2 semaphore(%arg8 : memref<!tpu.dma_semaphore, #tpu.memory_space<semaphore_mem>>) src(%dma_wait3A_500 : memref<128x64xf32, #tpu.memory_space<vmem>>) dst(%dma_wait3A_496 : memref<128x64xf32, #tpu.memory_space<hbm>>)
      %add3A_501 = arith.constant 1 : i32
      %add3A_502 = arith.addi %add3A_457, %add3A_501 : i32
      %dma_start3A_503 = arith.constant 1 : i32
      %dma_start3A_504 = arith.constant 0 : i32
      %dma_start3A_505 = arith.constant 0 : i32
      %dma_start3A_506 = tpu.memref_slice %arg6[%dma_start3A_503, %dma_start3A_504, %dma_start3A_505] : memref<8x128x64xf32, #tpu.memory_space<vmem>> -> memref<1x128x64xf32, #tpu.memory_space<vmem>>
      %dma_start3A_507 = tpu.memref_squeeze %dma_start3A_506 : memref<1x128x64xf32, #tpu.memory_space<vmem>> -> memref<128x64xf32, #tpu.memory_space<vmem>>
      %dma_start3A_508 = arith.constant 0 : i32
      %dma_start3A_509 = tpu.memref_slice %arg5[%add3A_502, %dma_start3A_508] : memref<200x128xi32, #tpu.memory_space<vmem>> -> memref<1x128xi32, #tpu.memory_space<vmem>>
      %dma_start3A_510 = tpu.memref_squeeze %dma_start3A_509 : memref<1x128xi32, #tpu.memory_space<vmem>> -> memref<128xi32, #tpu.memory_space<vmem>>
      %dma_start3A_511 = arith.constant 0 : i32
      %dma_start3A_512 = arith.constant 0 : i32
      %dma_start3A_513 = tpu.memref_slice %arg3[%dma_start3A_511, %dma_start3A_512] : memref<1000000x64xf32, #tpu.memory_space<hbm>> -> memref<1000000x64xf32, #tpu.memory_space<hbm>>
      tpu.enqueue_indirect_dma source(%dma_start3A_513 : memref<1000000x64xf32, #tpu.memory_space<hbm>>) target(%dma_start3A_507 : memref<128x64xf32, #tpu.memory_space<vmem>>) offsets(%dma_start3A_510 : memref<128xi32, #tpu.memory_space<vmem>>) semaphore(%arg7 : memref<!tpu.dma_semaphore, #tpu.memory_space<semaphore_mem>>)
      %dma_wait3A_514 = arith.constant 2 : i32
      %dma_wait3A_515 = arith.constant 0 : i32
      %dma_wait3A_516 = arith.constant 0 : i32
      %dma_wait3A_517 = tpu.memref_slice %arg6[%dma_wait3A_514, %dma_wait3A_515, %dma_wait3A_516] : memref<8x128x64xf32, #tpu.memory_space<vmem>> -> memref<1x128x64xf32, #tpu.memory_space<vmem>>
      %dma_wait3A_518 = tpu.memref_squeeze %dma_wait3A_517 : memref<1x128x64xf32, #tpu.memory_space<vmem>> -> memref<128x64xf32, #tpu.memory_space<vmem>>
      %dma_wait3A_519 = arith.constant 0 : i32
      %dma_wait3A_520 = arith.constant 0 : i32
      %dma_wait3A_521 = tpu.memref_slice %arg4[%dma_wait3A_519, %dma_wait3A_520] : memref<819200x64xf32, #tpu.memory_space<hbm>> -> memref<128x64xf32, #tpu.memory_space<hbm>>
      %dma_wait3A_522 = arith.constant 0 : i32
      %dma_wait3A_523 = arith.constant 0 : i32
      %dma_wait3A_524 = tpu.memref_slice %arg4[%dma_wait3A_522, %dma_wait3A_523] : memref<819200x64xf32, #tpu.memory_space<hbm>> -> memref<128x64xf32, #tpu.memory_space<hbm>>
      %dma_wait3A_525 = arith.constant 0 : i32
      %dma_wait3A_526 = arith.constant 0 : i32
      %dma_wait3A_527 = tpu.memref_slice %arg6[%dma_wait3A_514, %dma_wait3A_525, %dma_wait3A_526] : memref<8x128x64xf32, #tpu.memory_space<vmem>> -> memref<1x128x64xf32, #tpu.memory_space<vmem>>
      %dma_wait3A_528 = tpu.memref_squeeze %dma_wait3A_527 : memref<1x128x64xf32, #tpu.memory_space<vmem>> -> memref<128x64xf32, #tpu.memory_space<vmem>>
      tpu.wait_dma2 semaphore(%arg8 : memref<!tpu.dma_semaphore, #tpu.memory_space<semaphore_mem>>) src(%dma_wait3A_528 : memref<128x64xf32, #tpu.memory_space<vmem>>) dst(%dma_wait3A_524 : memref<128x64xf32, #tpu.memory_space<hbm>>)
      %add3A_529 = arith.constant 2 : i32
      %add3A_530 = arith.addi %add3A_457, %add3A_529 : i32
      %dma_start3A_531 = arith.constant 2 : i32
      %dma_start3A_532 = arith.constant 0 : i32
      %dma_start3A_533 = arith.constant 0 : i32
      %dma_start3A_534 = tpu.memref_slice %arg6[%dma_start3A_531, %dma_start3A_532, %dma_start3A_533] : memref<8x128x64xf32, #tpu.memory_space<vmem>> -> memref<1x128x64xf32, #tpu.memory_space<vmem>>
      %dma_start3A_535 = tpu.memref_squeeze %dma_start3A_534 : memref<1x128x64xf32, #tpu.memory_space<vmem>> -> memref<128x64xf32, #tpu.memory_space<vmem>>
      %dma_start3A_536 = arith.constant 0 : i32
      %dma_start3A_537 = tpu.memref_slice %arg5[%add3A_530, %dma_start3A_536] : memref<200x128xi32, #tpu.memory_space<vmem>> -> memref<1x128xi32, #tpu.memory_space<vmem>>
      %dma_start3A_538 = tpu.memref_squeeze %dma_start3A_537 : memref<1x128xi32, #tpu.memory_space<vmem>> -> memref<128xi32, #tpu.memory_space<vmem>>
      %dma_start3A_539 = arith.constant 0 : i32
      %dma_start3A_540 = arith.constant 0 : i32
      %dma_start3A_541 = tpu.memref_slice %arg3[%dma_start3A_539, %dma_start3A_540] : memref<1000000x64xf32, #tpu.memory_space<hbm>> -> memref<1000000x64xf32, #tpu.memory_space<hbm>>
      tpu.enqueue_indirect_dma source(%dma_start3A_541 : memref<1000000x64xf32, #tpu.memory_space<hbm>>) target(%dma_start3A_535 : memref<128x64xf32, #tpu.memory_space<vmem>>) offsets(%dma_start3A_538 : memref<128xi32, #tpu.memory_space<vmem>>) semaphore(%arg7 : memref<!tpu.dma_semaphore, #tpu.memory_space<semaphore_mem>>)
      %dma_wait3A_542 = arith.constant 3 : i32
      %dma_wait3A_543 = arith.constant 0 : i32
      %dma_wait3A_544 = arith.constant 0 : i32
      %dma_wait3A_545 = tpu.memref_slice %arg6[%dma_wait3A_542, %dma_wait3A_543, %dma_wait3A_544] : memref<8x128x64xf32, #tpu.memory_space<vmem>> -> memref<1x128x64xf32, #tpu.memory_space<vmem>>
      %dma_wait3A_546 = tpu.memref_squeeze %dma_wait3A_545 : memref<1x128x64xf32, #tpu.memory_space<vmem>> -> memref<128x64xf32, #tpu.memory_space<vmem>>
      %dma_wait3A_547 = arith.constant 0 : i32
      %dma_wait3A_548 = arith.constant 0 : i32
      %dma_wait3A_549 = tpu.memref_slice %arg4[%dma_wait3A_547, %dma_wait3A_548] : memref<819200x64xf32, #tpu.memory_space<hbm>> -> memref<128x64xf32, #tpu.memory_space<hbm>>
      %dma_wait3A_550 = arith.constant 0 : i32
      %dma_wait3A_551 = arith.constant 0 : i32
      %dma_wait3A_552 = tpu.memref_slice %arg4[%dma_wait3A_550, %dma_wait3A_551] : memref<819200x64xf32, #tpu.memory_space<hbm>> -> memref<128x64xf32, #tpu.memory_space<hbm>>
      %dma_wait3A_553 = arith.constant 0 : i32
      %dma_wait3A_554 = arith.constant 0 : i32
      %dma_wait3A_555 = tpu.memref_slice %arg6[%dma_wait3A_542, %dma_wait3A_553, %dma_wait3A_554] : memref<8x128x64xf32, #tpu.memory_space<vmem>> -> memref<1x128x64xf32, #tpu.memory_space<vmem>>
      %dma_wait3A_556 = tpu.memref_squeeze %dma_wait3A_555 : memref<1x128x64xf32, #tpu.memory_space<vmem>> -> memref<128x64xf32, #tpu.memory_space<vmem>>
      tpu.wait_dma2 semaphore(%arg8 : memref<!tpu.dma_semaphore, #tpu.memory_space<semaphore_mem>>) src(%dma_wait3A_556 : memref<128x64xf32, #tpu.memory_space<vmem>>) dst(%dma_wait3A_552 : memref<128x64xf32, #tpu.memory_space<hbm>>)
      %add3A_557 = arith.constant 3 : i32
      %add3A_558 = arith.addi %add3A_457, %add3A_557 : i32
      %dma_start3A_559 = arith.constant 3 : i32
      %dma_start3A_560 = arith.constant 0 : i32
      %dma_start3A_561 = arith.constant 0 : i32
      %dma_start3A_562 = tpu.memref_slice %arg6[%dma_start3A_559, %dma_start3A_560, %dma_start3A_561] : memref<8x128x64xf32, #tpu.memory_space<vmem>> -> memref<1x128x64xf32, #tpu.memory_space<vmem>>
      %dma_start3A_563 = tpu.memref_squeeze %dma_start3A_562 : memref<1x128x64xf32, #tpu.memory_space<vmem>> -> memref<128x64xf32, #tpu.memory_space<vmem>>
      %dma_start3A_564 = arith.constant 0 : i32
      %dma_start3A_565 = tpu.memref_slice %arg5[%add3A_558, %dma_start3A_564] : memref<200x128xi32, #tpu.memory_space<vmem>> -> memref<1x128xi32, #tpu.memory_space<vmem>>
      %dma_start3A_566 = tpu.memref_squeeze %dma_start3A_565 : memref<1x128xi32, #tpu.memory_space<vmem>> -> memref<128xi32, #tpu.memory_space<vmem>>
      %dma_start3A_567 = arith.constant 0 : i32
      %dma_start3A_568 = arith.constant 0 : i32
      %dma_start3A_569 = tpu.memref_slice %arg3[%dma_start3A_567, %dma_start3A_568] : memref<1000000x64xf32, #tpu.memory_space<hbm>> -> memref<1000000x64xf32, #tpu.memory_space<hbm>>
      tpu.enqueue_indirect_dma source(%dma_start3A_569 : memref<1000000x64xf32, #tpu.memory_space<hbm>>) target(%dma_start3A_563 : memref<128x64xf32, #tpu.memory_space<vmem>>) offsets(%dma_start3A_566 : memref<128xi32, #tpu.memory_space<vmem>>) semaphore(%arg7 : memref<!tpu.dma_semaphore, #tpu.memory_space<semaphore_mem>>)
      %dma_wait3A_570 = arith.constant 4 : i32
      %dma_wait3A_571 = arith.constant 0 : i32
      %dma_wait3A_572 = arith.constant 0 : i32
      %dma_wait3A_573 = tpu.memref_slice %arg6[%dma_wait3A_570, %dma_wait3A_571, %dma_wait3A_572] : memref<8x128x64xf32, #tpu.memory_space<vmem>> -> memref<1x128x64xf32, #tpu.memory_space<vmem>>
      %dma_wait3A_574 = tpu.memref_squeeze %dma_wait3A_573 : memref<1x128x64xf32, #tpu.memory_space<vmem>> -> memref<128x64xf32, #tpu.memory_space<vmem>>
      %dma_wait3A_575 = arith.constant 0 : i32
      %dma_wait3A_576 = arith.constant 0 : i32
      %dma_wait3A_577 = tpu.memref_slice %arg4[%dma_wait3A_575, %dma_wait3A_576] : memref<819200x64xf32, #tpu.memory_space<hbm>> -> memref<128x64xf32, #tpu.memory_space<hbm>>
      %dma_wait3A_578 = arith.constant 0 : i32
      %dma_wait3A_579 = arith.constant 0 : i32
      %dma_wait3A_580 = tpu.memref_slice %arg4[%dma_wait3A_578, %dma_wait3A_579] : memref<819200x64xf32, #tpu.memory_space<hbm>> -> memref<128x64xf32, #tpu.memory_space<hbm>>
      %dma_wait3A_581 = arith.constant 0 : i32
      %dma_wait3A_582 = arith.constant 0 : i32
      %dma_wait3A_583 = tpu.memref_slice %arg6[%dma_wait3A_570, %dma_wait3A_581, %dma_wait3A_582] : memref<8x128x64xf32, #tpu.memory_space<vmem>> -> memref<1x128x64xf32, #tpu.memory_space<vmem>>
      %dma_wait3A_584 = tpu.memref_squeeze %dma_wait3A_583 : memref<1x128x64xf32, #tpu.memory_space<vmem>> -> memref<128x64xf32, #tpu.memory_space<vmem>>
      tpu.wait_dma2 semaphore(%arg8 : memref<!tpu.dma_semaphore, #tpu.memory_space<semaphore_mem>>) src(%dma_wait3A_584 : memref<128x64xf32, #tpu.memory_space<vmem>>) dst(%dma_wait3A_580 : memref<128x64xf32, #tpu.memory_space<hbm>>)
      %add3A_585 = arith.constant 4 : i32
      %add3A_586 = arith.addi %add3A_457, %add3A_585 : i32
      %dma_start3A_587 = arith.constant 4 : i32
      %dma_start3A_588 = arith.constant 0 : i32
      %dma_start3A_589 = arith.constant 0 : i32
      %dma_start3A_590 = tpu.memref_slice %arg6[%dma_start3A_587, %dma_start3A_588, %dma_start3A_589] : memref<8x128x64xf32, #tpu.memory_space<vmem>> -> memref<1x128x64xf32, #tpu.memory_space<vmem>>
      %dma_start3A_591 = tpu.memref_squeeze %dma_start3A_590 : memref<1x128x64xf32, #tpu.memory_space<vmem>> -> memref<128x64xf32, #tpu.memory_space<vmem>>
      %dma_start3A_592 = arith.constant 0 : i32
      %dma_start3A_593 = tpu.memref_slice %arg5[%add3A_586, %dma_start3A_592] : memref<200x128xi32, #tpu.memory_space<vmem>> -> memref<1x128xi32, #tpu.memory_space<vmem>>
      %dma_start3A_594 = tpu.memref_squeeze %dma_start3A_593 : memref<1x128xi32, #tpu.memory_space<vmem>> -> memref<128xi32, #tpu.memory_space<vmem>>
      %dma_start3A_595 = arith.constant 0 : i32
      %dma_start3A_596 = arith.constant 0 : i32
      %dma_start3A_597 = tpu.memref_slice %arg3[%dma_start3A_595, %dma_start3A_596] : memref<1000000x64xf32, #tpu.memory_space<hbm>> -> memref<1000000x64xf32, #tpu.memory_space<hbm>>
      tpu.enqueue_indirect_dma source(%dma_start3A_597 : memref<1000000x64xf32, #tpu.memory_space<hbm>>) target(%dma_start3A_591 : memref<128x64xf32, #tpu.memory_space<vmem>>) offsets(%dma_start3A_594 : memref<128xi32, #tpu.memory_space<vmem>>) semaphore(%arg7 : memref<!tpu.dma_semaphore, #tpu.memory_space<semaphore_mem>>)
      %dma_wait3A_598 = arith.constant 5 : i32
      %dma_wait3A_599 = arith.constant 0 : i32
      %dma_wait3A_600 = arith.constant 0 : i32
      %dma_wait3A_601 = tpu.memref_slice %arg6[%dma_wait3A_598, %dma_wait3A_599, %dma_wait3A_600] : memref<8x128x64xf32, #tpu.memory_space<vmem>> -> memref<1x128x64xf32, #tpu.memory_space<vmem>>
      %dma_wait3A_602 = tpu.memref_squeeze %dma_wait3A_601 : memref<1x128x64xf32, #tpu.memory_space<vmem>> -> memref<128x64xf32, #tpu.memory_space<vmem>>
      %dma_wait3A_603 = arith.constant 0 : i32
      %dma_wait3A_604 = arith.constant 0 : i32
      %dma_wait3A_605 = tpu.memref_slice %arg4[%dma_wait3A_603, %dma_wait3A_604] : memref<819200x64xf32, #tpu.memory_space<hbm>> -> memref<128x64xf32, #tpu.memory_space<hbm>>
      %dma_wait3A_606 = arith.constant 0 : i32
      %dma_wait3A_607 = arith.constant 0 : i32
      %dma_wait3A_608 = tpu.memref_slice %arg4[%dma_wait3A_606, %dma_wait3A_607] : memref<819200x64xf32, #tpu.memory_space<hbm>> -> memref<128x64xf32, #tpu.memory_space<hbm>>
      %dma_wait3A_609 = arith.constant 0 : i32
      %dma_wait3A_610 = arith.constant 0 : i32
      %dma_wait3A_611 = tpu.memref_slice %arg6[%dma_wait3A_598, %dma_wait3A_609, %dma_wait3A_610] : memref<8x128x64xf32, #tpu.memory_space<vmem>> -> memref<1x128x64xf32, #tpu.memory_space<vmem>>
      %dma_wait3A_612 = tpu.memref_squeeze %dma_wait3A_611 : memref<1x128x64xf32, #tpu.memory_space<vmem>> -> memref<128x64xf32, #tpu.memory_space<vmem>>
      tpu.wait_dma2 semaphore(%arg8 : memref<!tpu.dma_semaphore, #tpu.memory_space<semaphore_mem>>) src(%dma_wait3A_612 : memref<128x64xf32, #tpu.memory_space<vmem>>) dst(%dma_wait3A_608 : memref<128x64xf32, #tpu.memory_space<hbm>>)
      %add3A_613 = arith.constant 5 : i32
      %add3A_614 = arith.addi %add3A_457, %add3A_613 : i32
      %dma_start3A_615 = arith.constant 5 : i32
      %dma_start3A_616 = arith.constant 0 : i32
      %dma_start3A_617 = arith.constant 0 : i32
      %dma_start3A_618 = tpu.memref_slice %arg6[%dma_start3A_615, %dma_start3A_616, %dma_start3A_617] : memref<8x128x64xf32, #tpu.memory_space<vmem>> -> memref<1x128x64xf32, #tpu.memory_space<vmem>>
      %dma_start3A_619 = tpu.memref_squeeze %dma_start3A_618 : memref<1x128x64xf32, #tpu.memory_space<vmem>> -> memref<128x64xf32, #tpu.memory_space<vmem>>
      %dma_start3A_620 = arith.constant 0 : i32
      %dma_start3A_621 = tpu.memref_slice %arg5[%add3A_614, %dma_start3A_620] : memref<200x128xi32, #tpu.memory_space<vmem>> -> memref<1x128xi32, #tpu.memory_space<vmem>>
      %dma_start3A_622 = tpu.memref_squeeze %dma_start3A_621 : memref<1x128xi32, #tpu.memory_space<vmem>> -> memref<128xi32, #tpu.memory_space<vmem>>
      %dma_start3A_623 = arith.constant 0 : i32
      %dma_start3A_624 = arith.constant 0 : i32
      %dma_start3A_625 = tpu.memref_slice %arg3[%dma_start3A_623, %dma_start3A_624] : memref<1000000x64xf32, #tpu.memory_space<hbm>> -> memref<1000000x64xf32, #tpu.memory_space<hbm>>
      tpu.enqueue_indirect_dma source(%dma_start3A_625 : memref<1000000x64xf32, #tpu.memory_space<hbm>>) target(%dma_start3A_619 : memref<128x64xf32, #tpu.memory_space<vmem>>) offsets(%dma_start3A_622 : memref<128xi32, #tpu.memory_space<vmem>>) semaphore(%arg7 : memref<!tpu.dma_semaphore, #tpu.memory_space<semaphore_mem>>)
      %dma_wait3A_626 = arith.constant 6 : i32
      %dma_wait3A_627 = arith.constant 0 : i32
      %dma_wait3A_628 = arith.constant 0 : i32
      %dma_wait3A_629 = tpu.memref_slice %arg6[%dma_wait3A_626, %dma_wait3A_627, %dma_wait3A_628] : memref<8x128x64xf32, #tpu.memory_space<vmem>> -> memref<1x128x64xf32, #tpu.memory_space<vmem>>
      %dma_wait3A_630 = tpu.memref_squeeze %dma_wait3A_629 : memref<1x128x64xf32, #tpu.memory_space<vmem>> -> memref<128x64xf32, #tpu.memory_space<vmem>>
      %dma_wait3A_631 = arith.constant 0 : i32
      %dma_wait3A_632 = arith.constant 0 : i32
      %dma_wait3A_633 = tpu.memref_slice %arg4[%dma_wait3A_631, %dma_wait3A_632] : memref<819200x64xf32, #tpu.memory_space<hbm>> -> memref<128x64xf32, #tpu.memory_space<hbm>>
      %dma_wait3A_634 = arith.constant 0 : i32
      %dma_wait3A_635 = arith.constant 0 : i32
      %dma_wait3A_636 = tpu.memref_slice %arg4[%dma_wait3A_634, %dma_wait3A_635] : memref<819200x64xf32, #tpu.memory_space<hbm>> -> memref<128x64xf32, #tpu.memory_space<hbm>>
      %dma_wait3A_637 = arith.constant 0 : i32
      %dma_wait3A_638 = arith.constant 0 : i32
      %dma_wait3A_639 = tpu.memref_slice %arg6[%dma_wait3A_626, %dma_wait3A_637, %dma_wait3A_638] : memref<8x128x64xf32, #tpu.memory_space<vmem>> -> memref<1x128x64xf32, #tpu.memory_space<vmem>>
      %dma_wait3A_640 = tpu.memref_squeeze %dma_wait3A_639 : memref<1x128x64xf32, #tpu.memory_space<vmem>> -> memref<128x64xf32, #tpu.memory_space<vmem>>
      tpu.wait_dma2 semaphore(%arg8 : memref<!tpu.dma_semaphore, #tpu.memory_space<semaphore_mem>>) src(%dma_wait3A_640 : memref<128x64xf32, #tpu.memory_space<vmem>>) dst(%dma_wait3A_636 : memref<128x64xf32, #tpu.memory_space<hbm>>)
      %add3A_641 = arith.constant 6 : i32
      %add3A_642 = arith.addi %add3A_457, %add3A_641 : i32
      %dma_start3A_643 = arith.constant 6 : i32
      %dma_start3A_644 = arith.constant 0 : i32
      %dma_start3A_645 = arith.constant 0 : i32
      %dma_start3A_646 = tpu.memref_slice %arg6[%dma_start3A_643, %dma_start3A_644, %dma_start3A_645] : memref<8x128x64xf32, #tpu.memory_space<vmem>> -> memref<1x128x64xf32, #tpu.memory_space<vmem>>
      %dma_start3A_647 = tpu.memref_squeeze %dma_start3A_646 : memref<1x128x64xf32, #tpu.memory_space<vmem>> -> memref<128x64xf32, #tpu.memory_space<vmem>>
      %dma_start3A_648 = arith.constant 0 : i32
      %dma_start3A_649 = tpu.memref_slice %arg5[%add3A_642, %dma_start3A_648] : memref<200x128xi32, #tpu.memory_space<vmem>> -> memref<1x128xi32, #tpu.memory_space<vmem>>
      %dma_start3A_650 = tpu.memref_squeeze %dma_start3A_649 : memref<1x128xi32, #tpu.memory_space<vmem>> -> memref<128xi32, #tpu.memory_space<vmem>>
      %dma_start3A_651 = arith.constant 0 : i32
      %dma_start3A_652 = arith.constant 0 : i32
      %dma_start3A_653 = tpu.memref_slice %arg3[%dma_start3A_651, %dma_start3A_652] : memref<1000000x64xf32, #tpu.memory_space<hbm>> -> memref<1000000x64xf32, #tpu.memory_space<hbm>>
      tpu.enqueue_indirect_dma source(%dma_start3A_653 : memref<1000000x64xf32, #tpu.memory_space<hbm>>) target(%dma_start3A_647 : memref<128x64xf32, #tpu.memory_space<vmem>>) offsets(%dma_start3A_650 : memref<128xi32, #tpu.memory_space<vmem>>) semaphore(%arg7 : memref<!tpu.dma_semaphore, #tpu.memory_space<semaphore_mem>>)
      %dma_wait3A_654 = arith.constant 7 : i32
      %dma_wait3A_655 = arith.constant 0 : i32
      %dma_wait3A_656 = arith.constant 0 : i32
      %dma_wait3A_657 = tpu.memref_slice %arg6[%dma_wait3A_654, %dma_wait3A_655, %dma_wait3A_656] : memref<8x128x64xf32, #tpu.memory_space<vmem>> -> memref<1x128x64xf32, #tpu.memory_space<vmem>>
      %dma_wait3A_658 = tpu.memref_squeeze %dma_wait3A_657 : memref<1x128x64xf32, #tpu.memory_space<vmem>> -> memref<128x64xf32, #tpu.memory_space<vmem>>
      %dma_wait3A_659 = arith.constant 0 : i32
      %dma_wait3A_660 = arith.constant 0 : i32
      %dma_wait3A_661 = tpu.memref_slice %arg4[%dma_wait3A_659, %dma_wait3A_660] : memref<819200x64xf32, #tpu.memory_space<hbm>> -> memref<128x64xf32, #tpu.memory_space<hbm>>
      %dma_wait3A_662 = arith.constant 0 : i32
      %dma_wait3A_663 = arith.constant 0 : i32
      %dma_wait3A_664 = tpu.memref_slice %arg4[%dma_wait3A_662, %dma_wait3A_663] : memref<819200x64xf32, #tpu.memory_space<hbm>> -> memref<128x64xf32, #tpu.memory_space<hbm>>
      %dma_wait3A_665 = arith.constant 0 : i32
      %dma_wait3A_666 = arith.constant 0 : i32
      %dma_wait3A_667 = tpu.memref_slice %arg6[%dma_wait3A_654, %dma_wait3A_665, %dma_wait3A_666] : memref<8x128x64xf32, #tpu.memory_space<vmem>> -> memref<1x128x64xf32, #tpu.memory_space<vmem>>
      %dma_wait3A_668 = tpu.memref_squeeze %dma_wait3A_667 : memref<1x128x64xf32, #tpu.memory_space<vmem>> -> memref<128x64xf32, #tpu.memory_space<vmem>>
      tpu.wait_dma2 semaphore(%arg8 : memref<!tpu.dma_semaphore, #tpu.memory_space<semaphore_mem>>) src(%dma_wait3A_668 : memref<128x64xf32, #tpu.memory_space<vmem>>) dst(%dma_wait3A_664 : memref<128x64xf32, #tpu.memory_space<hbm>>)
      %add3A_669 = arith.constant 7 : i32
      %add3A_670 = arith.addi %add3A_457, %add3A_669 : i32
      %dma_start3A_671 = arith.constant 7 : i32
      %dma_start3A_672 = arith.constant 0 : i32
      %dma_start3A_673 = arith.constant 0 : i32
      %dma_start3A_674 = tpu.memref_slice %arg6[%dma_start3A_671, %dma_start3A_672, %dma_start3A_673] : memref<8x128x64xf32, #tpu.memory_space<vmem>> -> memref<1x128x64xf32, #tpu.memory_space<vmem>>
      %dma_start3A_675 = tpu.memref_squeeze %dma_start3A_674 : memref<1x128x64xf32, #tpu.memory_space<vmem>> -> memref<128x64xf32, #tpu.memory_space<vmem>>
      %dma_start3A_676 = arith.constant 0 : i32
      %dma_start3A_677 = tpu.memref_slice %arg5[%add3A_670, %dma_start3A_676] : memref<200x128xi32, #tpu.memory_space<vmem>> -> memref<1x128xi32, #tpu.memory_space<vmem>>
      %dma_start3A_678 = tpu.memref_squeeze %dma_start3A_677 : memref<1x128xi32, #tpu.memory_space<vmem>> -> memref<128xi32, #tpu.memory_space<vmem>>
      %dma_start3A_679 = arith.constant 0 : i32
      %dma_start3A_680 = arith.constant 0 : i32
      %dma_start3A_681 = tpu.memref_slice %arg3[%dma_start3A_679, %dma_start3A_680] : memref<1000000x64xf32, #tpu.memory_space<hbm>> -> memref<1000000x64xf32, #tpu.memory_space<hbm>>
      tpu.enqueue_indirect_dma source(%dma_start3A_681 : memref<1000000x64xf32, #tpu.memory_space<hbm>>) target(%dma_start3A_675 : memref<128x64xf32, #tpu.memory_space<vmem>>) offsets(%dma_start3A_678 : memref<128xi32, #tpu.memory_space<vmem>>) semaphore(%arg7 : memref<!tpu.dma_semaphore, #tpu.memory_space<semaphore_mem>>)
      %dma_wait3A_682 = arith.constant 0 : i32
      %dma_wait3A_683 = arith.constant 0 : i32
      %dma_wait3A_684 = arith.constant 0 : i32
      %dma_wait3A_685 = arith.constant 0 : i32
      %dma_wait3A_686 = tpu.memref_slice %arg6[%dma_wait3A_683, %dma_wait3A_684, %dma_wait3A_685] : memref<8x128x64xf32, #tpu.memory_space<vmem>> -> memref<1x128x64xf32, #tpu.memory_space<vmem>>
      %dma_wait3A_687 = tpu.memref_squeeze %dma_wait3A_686 : memref<1x128x64xf32, #tpu.memory_space<vmem>> -> memref<128x64xf32, #tpu.memory_space<vmem>>
      %dma_wait3A_688 = arith.constant 0 : i32
      %dma_wait3A_689 = tpu.memref_slice %arg5[%dma_wait3A_682, %dma_wait3A_688] : memref<200x128xi32, #tpu.memory_space<vmem>> -> memref<1x128xi32, #tpu.memory_space<vmem>>
      %dma_wait3A_690 = tpu.memref_squeeze %dma_wait3A_689 : memref<1x128xi32, #tpu.memory_space<vmem>> -> memref<128xi32, #tpu.memory_space<vmem>>
      %dma_wait3A_691 = arith.constant 0 : i32
      %dma_wait3A_692 = arith.constant 0 : i32
      %dma_wait3A_693 = tpu.memref_slice %arg3[%dma_wait3A_691, %dma_wait3A_692] : memref<1000000x64xf32, #tpu.memory_space<hbm>> -> memref<1000000x64xf32, #tpu.memory_space<hbm>>
      tpu.wait_indirect_dma semaphore(%arg7 : memref<!tpu.dma_semaphore, #tpu.memory_space<semaphore_mem>>) src(%dma_wait3A_693 : memref<1000000x64xf32, #tpu.memory_space<hbm>>) dst(%dma_wait3A_687 : memref<128x64xf32, #tpu.memory_space<vmem>>)
      %add3A_694 = arith.constant 0 : i32
      %add3A_695 = arith.addi %add3A_457, %add3A_694 : i32
      %add3A_696 = arith.addi %mul3A_2, %add3A_695 : i32
      %mul3A_697 = arith.constant 128 : i32
      %mul3A_698 = arith.muli %add3A_696, %mul3A_697 : i32
      %dma_start3A_699 = arith.constant 0 : i32
      %dma_start3A_700 = arith.constant 0 : i32
      %dma_start3A_701 = arith.constant 0 : i32
      %dma_start3A_702 = tpu.memref_slice %arg6[%dma_start3A_699, %dma_start3A_700, %dma_start3A_701] : memref<8x128x64xf32, #tpu.memory_space<vmem>> -> memref<1x128x64xf32, #tpu.memory_space<vmem>>
      %dma_start3A_703 = tpu.memref_squeeze %dma_start3A_702 : memref<1x128x64xf32, #tpu.memory_space<vmem>> -> memref<128x64xf32, #tpu.memory_space<vmem>>
      %dma_start3A_704 = arith.constant 0 : i32
      %dma_start3A_705 = tpu.memref_slice %arg4[%mul3A_698, %dma_start3A_704] : memref<819200x64xf32, #tpu.memory_space<hbm>> -> memref<128x64xf32, #tpu.memory_space<hbm>>
      %dma_start3A_706 = arith.constant 0 : i32
      %dma_start3A_707 = tpu.memref_slice %arg4[%mul3A_698, %dma_start3A_706] : memref<819200x64xf32, #tpu.memory_space<hbm>> -> memref<128x64xf32, #tpu.memory_space<hbm>>
      %dma_start3A_708 = arith.constant 0 : i32
      %dma_start3A_709 = arith.constant 0 : i32
      %dma_start3A_710 = tpu.memref_slice %arg6[%dma_start3A_699, %dma_start3A_708, %dma_start3A_709] : memref<8x128x64xf32, #tpu.memory_space<vmem>> -> memref<1x128x64xf32, #tpu.memory_space<vmem>>
      %dma_start3A_711 = tpu.memref_squeeze %dma_start3A_710 : memref<1x128x64xf32, #tpu.memory_space<vmem>> -> memref<128x64xf32, #tpu.memory_space<vmem>>
      tpu.enqueue_dma source(%dma_start3A_711 : memref<128x64xf32, #tpu.memory_space<vmem>>) target(%dma_start3A_707 : memref<128x64xf32, #tpu.memory_space<hbm>>) target_semaphore(%arg8 : memref<!tpu.dma_semaphore, #tpu.memory_space<semaphore_mem>>)
      %dma_wait3A_712 = arith.constant 0 : i32
      %dma_wait3A_713 = arith.constant 1 : i32
      %dma_wait3A_714 = arith.constant 0 : i32
      %dma_wait3A_715 = arith.constant 0 : i32
      %dma_wait3A_716 = tpu.memref_slice %arg6[%dma_wait3A_713, %dma_wait3A_714, %dma_wait3A_715] : memref<8x128x64xf32, #tpu.memory_space<vmem>> -> memref<1x128x64xf32, #tpu.memory_space<vmem>>
      %dma_wait3A_717 = tpu.memref_squeeze %dma_wait3A_716 : memref<1x128x64xf32, #tpu.memory_space<vmem>> -> memref<128x64xf32, #tpu.memory_space<vmem>>
      %dma_wait3A_718 = arith.constant 0 : i32
      %dma_wait3A_719 = tpu.memref_slice %arg5[%dma_wait3A_712, %dma_wait3A_718] : memref<200x128xi32, #tpu.memory_space<vmem>> -> memref<1x128xi32, #tpu.memory_space<vmem>>
      %dma_wait3A_720 = tpu.memref_squeeze %dma_wait3A_719 : memref<1x128xi32, #tpu.memory_space<vmem>> -> memref<128xi32, #tpu.memory_space<vmem>>
      %dma_wait3A_721 = arith.constant 0 : i32
      %dma_wait3A_722 = arith.constant 0 : i32
      %dma_wait3A_723 = tpu.memref_slice %arg3[%dma_wait3A_721, %dma_wait3A_722] : memref<1000000x64xf32, #tpu.memory_space<hbm>> -> memref<1000000x64xf32, #tpu.memory_space<hbm>>
      tpu.wait_indirect_dma semaphore(%arg7 : memref<!tpu.dma_semaphore, #tpu.memory_space<semaphore_mem>>) src(%dma_wait3A_723 : memref<1000000x64xf32, #tpu.memory_space<hbm>>) dst(%dma_wait3A_717 : memref<128x64xf32, #tpu.memory_space<vmem>>)
      %add3A_724 = arith.constant 1 : i32
      %add3A_725 = arith.addi %add3A_457, %add3A_724 : i32
      %add3A_726 = arith.addi %mul3A_2, %add3A_725 : i32
      %mul3A_727 = arith.constant 128 : i32
      %mul3A_728 = arith.muli %add3A_726, %mul3A_727 : i32
      %dma_start3A_729 = arith.constant 1 : i32
      %dma_start3A_730 = arith.constant 0 : i32
      %dma_start3A_731 = arith.constant 0 : i32
      %dma_start3A_732 = tpu.memref_slice %arg6[%dma_start3A_729, %dma_start3A_730, %dma_start3A_731] : memref<8x128x64xf32, #tpu.memory_space<vmem>> -> memref<1x128x64xf32, #tpu.memory_space<vmem>>
      %dma_start3A_733 = tpu.memref_squeeze %dma_start3A_732 : memref<1x128x64xf32, #tpu.memory_space<vmem>> -> memref<128x64xf32, #tpu.memory_space<vmem>>
      %dma_start3A_734 = arith.constant 0 : i32
      %dma_start3A_735 = tpu.memref_slice %arg4[%mul3A_728, %dma_start3A_734] : memref<819200x64xf32, #tpu.memory_space<hbm>> -> memref<128x64xf32, #tpu.memory_space<hbm>>
      %dma_start3A_736 = arith.constant 0 : i32
      %dma_start3A_737 = tpu.memref_slice %arg4[%mul3A_728, %dma_start3A_736] : memref<819200x64xf32, #tpu.memory_space<hbm>> -> memref<128x64xf32, #tpu.memory_space<hbm>>
      %dma_start3A_738 = arith.constant 0 : i32
      %dma_start3A_739 = arith.constant 0 : i32
      %dma_start3A_740 = tpu.memref_slice %arg6[%dma_start3A_729, %dma_start3A_738, %dma_start3A_739] : memref<8x128x64xf32, #tpu.memory_space<vmem>> -> memref<1x128x64xf32, #tpu.memory_space<vmem>>
      %dma_start3A_741 = tpu.memref_squeeze %dma_start3A_740 : memref<1x128x64xf32, #tpu.memory_space<vmem>> -> memref<128x64xf32, #tpu.memory_space<vmem>>
      tpu.enqueue_dma source(%dma_start3A_741 : memref<128x64xf32, #tpu.memory_space<vmem>>) target(%dma_start3A_737 : memref<128x64xf32, #tpu.memory_space<hbm>>) target_semaphore(%arg8 : memref<!tpu.dma_semaphore, #tpu.memory_space<semaphore_mem>>)
      %dma_wait3A_742 = arith.constant 0 : i32
      %dma_wait3A_743 = arith.constant 2 : i32
      %dma_wait3A_744 = arith.constant 0 : i32
      %dma_wait3A_745 = arith.constant 0 : i32
      %dma_wait3A_746 = tpu.memref_slice %arg6[%dma_wait3A_743, %dma_wait3A_744, %dma_wait3A_745] : memref<8x128x64xf32, #tpu.memory_space<vmem>> -> memref<1x128x64xf32, #tpu.memory_space<vmem>>
      %dma_wait3A_747 = tpu.memref_squeeze %dma_wait3A_746 : memref<1x128x64xf32, #tpu.memory_space<vmem>> -> memref<128x64xf32, #tpu.memory_space<vmem>>
      %dma_wait3A_748 = arith.constant 0 : i32
      %dma_wait3A_749 = tpu.memref_slice %arg5[%dma_wait3A_742, %dma_wait3A_748] : memref<200x128xi32, #tpu.memory_space<vmem>> -> memref<1x128xi32, #tpu.memory_space<vmem>>
      %dma_wait3A_750 = tpu.memref_squeeze %dma_wait3A_749 : memref<1x128xi32, #tpu.memory_space<vmem>> -> memref<128xi32, #tpu.memory_space<vmem>>
      %dma_wait3A_751 = arith.constant 0 : i32
      %dma_wait3A_752 = arith.constant 0 : i32
      %dma_wait3A_753 = tpu.memref_slice %arg3[%dma_wait3A_751, %dma_wait3A_752] : memref<1000000x64xf32, #tpu.memory_space<hbm>> -> memref<1000000x64xf32, #tpu.memory_space<hbm>>
      tpu.wait_indirect_dma semaphore(%arg7 : memref<!tpu.dma_semaphore, #tpu.memory_space<semaphore_mem>>) src(%dma_wait3A_753 : memref<1000000x64xf32, #tpu.memory_space<hbm>>) dst(%dma_wait3A_747 : memref<128x64xf32, #tpu.memory_space<vmem>>)
      %add3A_754 = arith.constant 2 : i32
      %add3A_755 = arith.addi %add3A_457, %add3A_754 : i32
      %add3A_756 = arith.addi %mul3A_2, %add3A_755 : i32
      %mul3A_757 = arith.constant 128 : i32
      %mul3A_758 = arith.muli %add3A_756, %mul3A_757 : i32
      %dma_start3A_759 = arith.constant 2 : i32
      %dma_start3A_760 = arith.constant 0 : i32
      %dma_start3A_761 = arith.constant 0 : i32
      %dma_start3A_762 = tpu.memref_slice %arg6[%dma_start3A_759, %dma_start3A_760, %dma_start3A_761] : memref<8x128x64xf32, #tpu.memory_space<vmem>> -> memref<1x128x64xf32, #tpu.memory_space<vmem>>
      %dma_start3A_763 = tpu.memref_squeeze %dma_start3A_762 : memref<1x128x64xf32, #tpu.memory_space<vmem>> -> memref<128x64xf32, #tpu.memory_space<vmem>>
      %dma_start3A_764 = arith.constant 0 : i32
      %dma_start3A_765 = tpu.memref_slice %arg4[%mul3A_758, %dma_start3A_764] : memref<819200x64xf32, #tpu.memory_space<hbm>> -> memref<128x64xf32, #tpu.memory_space<hbm>>
      %dma_start3A_766 = arith.constant 0 : i32
      %dma_start3A_767 = tpu.memref_slice %arg4[%mul3A_758, %dma_start3A_766] : memref<819200x64xf32, #tpu.memory_space<hbm>> -> memref<128x64xf32, #tpu.memory_space<hbm>>
      %dma_start3A_768 = arith.constant 0 : i32
      %dma_start3A_769 = arith.constant 0 : i32
      %dma_start3A_770 = tpu.memref_slice %arg6[%dma_start3A_759, %dma_start3A_768, %dma_start3A_769] : memref<8x128x64xf32, #tpu.memory_space<vmem>> -> memref<1x128x64xf32, #tpu.memory_space<vmem>>
      %dma_start3A_771 = tpu.memref_squeeze %dma_start3A_770 : memref<1x128x64xf32, #tpu.memory_space<vmem>> -> memref<128x64xf32, #tpu.memory_space<vmem>>
      tpu.enqueue_dma source(%dma_start3A_771 : memref<128x64xf32, #tpu.memory_space<vmem>>) target(%dma_start3A_767 : memref<128x64xf32, #tpu.memory_space<hbm>>) target_semaphore(%arg8 : memref<!tpu.dma_semaphore, #tpu.memory_space<semaphore_mem>>)
      %dma_wait3A_772 = arith.constant 0 : i32
      %dma_wait3A_773 = arith.constant 3 : i32
      %dma_wait3A_774 = arith.constant 0 : i32
      %dma_wait3A_775 = arith.constant 0 : i32
      %dma_wait3A_776 = tpu.memref_slice %arg6[%dma_wait3A_773, %dma_wait3A_774, %dma_wait3A_775] : memref<8x128x64xf32, #tpu.memory_space<vmem>> -> memref<1x128x64xf32, #tpu.memory_space<vmem>>
      %dma_wait3A_777 = tpu.memref_squeeze %dma_wait3A_776 : memref<1x128x64xf32, #tpu.memory_space<vmem>> -> memref<128x64xf32, #tpu.memory_space<vmem>>
      %dma_wait3A_778 = arith.constant 0 : i32
      %dma_wait3A_779 = tpu.memref_slice %arg5[%dma_wait3A_772, %dma_wait3A_778] : memref<200x128xi32, #tpu.memory_space<vmem>> -> memref<1x128xi32, #tpu.memory_space<vmem>>
      %dma_wait3A_780 = tpu.memref_squeeze %dma_wait3A_779 : memref<1x128xi32, #tpu.memory_space<vmem>> -> memref<128xi32, #tpu.memory_space<vmem>>
      %dma_wait3A_781 = arith.constant 0 : i32
      %dma_wait3A_782 = arith.constant 0 : i32
      %dma_wait3A_783 = tpu.memref_slice %arg3[%dma_wait3A_781, %dma_wait3A_782] : memref<1000000x64xf32, #tpu.memory_space<hbm>> -> memref<1000000x64xf32, #tpu.memory_space<hbm>>
      tpu.wait_indirect_dma semaphore(%arg7 : memref<!tpu.dma_semaphore, #tpu.memory_space<semaphore_mem>>) src(%dma_wait3A_783 : memref<1000000x64xf32, #tpu.memory_space<hbm>>) dst(%dma_wait3A_777 : memref<128x64xf32, #tpu.memory_space<vmem>>)
      %add3A_784 = arith.constant 3 : i32
      %add3A_785 = arith.addi %add3A_457, %add3A_784 : i32
      %add3A_786 = arith.addi %mul3A_2, %add3A_785 : i32
      %mul3A_787 = arith.constant 128 : i32
      %mul3A_788 = arith.muli %add3A_786, %mul3A_787 : i32
      %dma_start3A_789 = arith.constant 3 : i32
      %dma_start3A_790 = arith.constant 0 : i32
      %dma_start3A_791 = arith.constant 0 : i32
      %dma_start3A_792 = tpu.memref_slice %arg6[%dma_start3A_789, %dma_start3A_790, %dma_start3A_791] : memref<8x128x64xf32, #tpu.memory_space<vmem>> -> memref<1x128x64xf32, #tpu.memory_space<vmem>>
      %dma_start3A_793 = tpu.memref_squeeze %dma_start3A_792 : memref<1x128x64xf32, #tpu.memory_space<vmem>> -> memref<128x64xf32, #tpu.memory_space<vmem>>
      %dma_start3A_794 = arith.constant 0 : i32
      %dma_start3A_795 = tpu.memref_slice %arg4[%mul3A_788, %dma_start3A_794] : memref<819200x64xf32, #tpu.memory_space<hbm>> -> memref<128x64xf32, #tpu.memory_space<hbm>>
      %dma_start3A_796 = arith.constant 0 : i32
      %dma_start3A_797 = tpu.memref_slice %arg4[%mul3A_788, %dma_start3A_796] : memref<819200x64xf32, #tpu.memory_space<hbm>> -> memref<128x64xf32, #tpu.memory_space<hbm>>
      %dma_start3A_798 = arith.constant 0 : i32
      %dma_start3A_799 = arith.constant 0 : i32
      %dma_start3A_800 = tpu.memref_slice %arg6[%dma_start3A_789, %dma_start3A_798, %dma_start3A_799] : memref<8x128x64xf32, #tpu.memory_space<vmem>> -> memref<1x128x64xf32, #tpu.memory_space<vmem>>
      %dma_start3A_801 = tpu.memref_squeeze %dma_start3A_800 : memref<1x128x64xf32, #tpu.memory_space<vmem>> -> memref<128x64xf32, #tpu.memory_space<vmem>>
      tpu.enqueue_dma source(%dma_start3A_801 : memref<128x64xf32, #tpu.memory_space<vmem>>) target(%dma_start3A_797 : memref<128x64xf32, #tpu.memory_space<hbm>>) target_semaphore(%arg8 : memref<!tpu.dma_semaphore, #tpu.memory_space<semaphore_mem>>)
      %dma_wait3A_802 = arith.constant 0 : i32
      %dma_wait3A_803 = arith.constant 4 : i32
      %dma_wait3A_804 = arith.constant 0 : i32
      %dma_wait3A_805 = arith.constant 0 : i32
      %dma_wait3A_806 = tpu.memref_slice %arg6[%dma_wait3A_803, %dma_wait3A_804, %dma_wait3A_805] : memref<8x128x64xf32, #tpu.memory_space<vmem>> -> memref<1x128x64xf32, #tpu.memory_space<vmem>>
      %dma_wait3A_807 = tpu.memref_squeeze %dma_wait3A_806 : memref<1x128x64xf32, #tpu.memory_space<vmem>> -> memref<128x64xf32, #tpu.memory_space<vmem>>
      %dma_wait3A_808 = arith.constant 0 : i32
      %dma_wait3A_809 = tpu.memref_slice %arg5[%dma_wait3A_802, %dma_wait3A_808] : memref<200x128xi32, #tpu.memory_space<vmem>> -> memref<1x128xi32, #tpu.memory_space<vmem>>
      %dma_wait3A_810 = tpu.memref_squeeze %dma_wait3A_809 : memref<1x128xi32, #tpu.memory_space<vmem>> -> memref<128xi32, #tpu.memory_space<vmem>>
      %dma_wait3A_811 = arith.constant 0 : i32
      %dma_wait3A_812 = arith.constant 0 : i32
      %dma_wait3A_813 = tpu.memref_slice %arg3[%dma_wait3A_811, %dma_wait3A_812] : memref<1000000x64xf32, #tpu.memory_space<hbm>> -> memref<1000000x64xf32, #tpu.memory_space<hbm>>
      tpu.wait_indirect_dma semaphore(%arg7 : memref<!tpu.dma_semaphore, #tpu.memory_space<semaphore_mem>>) src(%dma_wait3A_813 : memref<1000000x64xf32, #tpu.memory_space<hbm>>) dst(%dma_wait3A_807 : memref<128x64xf32, #tpu.memory_space<vmem>>)
      %add3A_814 = arith.constant 4 : i32
      %add3A_815 = arith.addi %add3A_457, %add3A_814 : i32
      %add3A_816 = arith.addi %mul3A_2, %add3A_815 : i32
      %mul3A_817 = arith.constant 128 : i32
      %mul3A_818 = arith.muli %add3A_816, %mul3A_817 : i32
      %dma_start3A_819 = arith.constant 4 : i32
      %dma_start3A_820 = arith.constant 0 : i32
      %dma_start3A_821 = arith.constant 0 : i32
      %dma_start3A_822 = tpu.memref_slice %arg6[%dma_start3A_819, %dma_start3A_820, %dma_start3A_821] : memref<8x128x64xf32, #tpu.memory_space<vmem>> -> memref<1x128x64xf32, #tpu.memory_space<vmem>>
      %dma_start3A_823 = tpu.memref_squeeze %dma_start3A_822 : memref<1x128x64xf32, #tpu.memory_space<vmem>> -> memref<128x64xf32, #tpu.memory_space<vmem>>
      %dma_start3A_824 = arith.constant 0 : i32
      %dma_start3A_825 = tpu.memref_slice %arg4[%mul3A_818, %dma_start3A_824] : memref<819200x64xf32, #tpu.memory_space<hbm>> -> memref<128x64xf32, #tpu.memory_space<hbm>>
      %dma_start3A_826 = arith.constant 0 : i32
      %dma_start3A_827 = tpu.memref_slice %arg4[%mul3A_818, %dma_start3A_826] : memref<819200x64xf32, #tpu.memory_space<hbm>> -> memref<128x64xf32, #tpu.memory_space<hbm>>
      %dma_start3A_828 = arith.constant 0 : i32
      %dma_start3A_829 = arith.constant 0 : i32
      %dma_start3A_830 = tpu.memref_slice %arg6[%dma_start3A_819, %dma_start3A_828, %dma_start3A_829] : memref<8x128x64xf32, #tpu.memory_space<vmem>> -> memref<1x128x64xf32, #tpu.memory_space<vmem>>
      %dma_start3A_831 = tpu.memref_squeeze %dma_start3A_830 : memref<1x128x64xf32, #tpu.memory_space<vmem>> -> memref<128x64xf32, #tpu.memory_space<vmem>>
      tpu.enqueue_dma source(%dma_start3A_831 : memref<128x64xf32, #tpu.memory_space<vmem>>) target(%dma_start3A_827 : memref<128x64xf32, #tpu.memory_space<hbm>>) target_semaphore(%arg8 : memref<!tpu.dma_semaphore, #tpu.memory_space<semaphore_mem>>)
      %dma_wait3A_832 = arith.constant 0 : i32
      %dma_wait3A_833 = arith.constant 5 : i32
      %dma_wait3A_834 = arith.constant 0 : i32
      %dma_wait3A_835 = arith.constant 0 : i32
      %dma_wait3A_836 = tpu.memref_slice %arg6[%dma_wait3A_833, %dma_wait3A_834, %dma_wait3A_835] : memref<8x128x64xf32, #tpu.memory_space<vmem>> -> memref<1x128x64xf32, #tpu.memory_space<vmem>>
      %dma_wait3A_837 = tpu.memref_squeeze %dma_wait3A_836 : memref<1x128x64xf32, #tpu.memory_space<vmem>> -> memref<128x64xf32, #tpu.memory_space<vmem>>
      %dma_wait3A_838 = arith.constant 0 : i32
      %dma_wait3A_839 = tpu.memref_slice %arg5[%dma_wait3A_832, %dma_wait3A_838] : memref<200x128xi32, #tpu.memory_space<vmem>> -> memref<1x128xi32, #tpu.memory_space<vmem>>
      %dma_wait3A_840 = tpu.memref_squeeze %dma_wait3A_839 : memref<1x128xi32, #tpu.memory_space<vmem>> -> memref<128xi32, #tpu.memory_space<vmem>>
      %dma_wait3A_841 = arith.constant 0 : i32
      %dma_wait3A_842 = arith.constant 0 : i32
      %dma_wait3A_843 = tpu.memref_slice %arg3[%dma_wait3A_841, %dma_wait3A_842] : memref<1000000x64xf32, #tpu.memory_space<hbm>> -> memref<1000000x64xf32, #tpu.memory_space<hbm>>
      tpu.wait_indirect_dma semaphore(%arg7 : memref<!tpu.dma_semaphore, #tpu.memory_space<semaphore_mem>>) src(%dma_wait3A_843 : memref<1000000x64xf32, #tpu.memory_space<hbm>>) dst(%dma_wait3A_837 : memref<128x64xf32, #tpu.memory_space<vmem>>)
      %add3A_844 = arith.constant 5 : i32
      %add3A_845 = arith.addi %add3A_457, %add3A_844 : i32
      %add3A_846 = arith.addi %mul3A_2, %add3A_845 : i32
      %mul3A_847 = arith.constant 128 : i32
      %mul3A_848 = arith.muli %add3A_846, %mul3A_847 : i32
      %dma_start3A_849 = arith.constant 5 : i32
      %dma_start3A_850 = arith.constant 0 : i32
      %dma_start3A_851 = arith.constant 0 : i32
      %dma_start3A_852 = tpu.memref_slice %arg6[%dma_start3A_849, %dma_start3A_850, %dma_start3A_851] : memref<8x128x64xf32, #tpu.memory_space<vmem>> -> memref<1x128x64xf32, #tpu.memory_space<vmem>>
      %dma_start3A_853 = tpu.memref_squeeze %dma_start3A_852 : memref<1x128x64xf32, #tpu.memory_space<vmem>> -> memref<128x64xf32, #tpu.memory_space<vmem>>
      %dma_start3A_854 = arith.constant 0 : i32
      %dma_start3A_855 = tpu.memref_slice %arg4[%mul3A_848, %dma_start3A_854] : memref<819200x64xf32, #tpu.memory_space<hbm>> -> memref<128x64xf32, #tpu.memory_space<hbm>>
      %dma_start3A_856 = arith.constant 0 : i32
      %dma_start3A_857 = tpu.memref_slice %arg4[%mul3A_848, %dma_start3A_856] : memref<819200x64xf32, #tpu.memory_space<hbm>> -> memref<128x64xf32, #tpu.memory_space<hbm>>
      %dma_start3A_858 = arith.constant 0 : i32
      %dma_start3A_859 = arith.constant 0 : i32
      %dma_start3A_860 = tpu.memref_slice %arg6[%dma_start3A_849, %dma_start3A_858, %dma_start3A_859] : memref<8x128x64xf32, #tpu.memory_space<vmem>> -> memref<1x128x64xf32, #tpu.memory_space<vmem>>
      %dma_start3A_861 = tpu.memref_squeeze %dma_start3A_860 : memref<1x128x64xf32, #tpu.memory_space<vmem>> -> memref<128x64xf32, #tpu.memory_space<vmem>>
      tpu.enqueue_dma source(%dma_start3A_861 : memref<128x64xf32, #tpu.memory_space<vmem>>) target(%dma_start3A_857 : memref<128x64xf32, #tpu.memory_space<hbm>>) target_semaphore(%arg8 : memref<!tpu.dma_semaphore, #tpu.memory_space<semaphore_mem>>)
      %dma_wait3A_862 = arith.constant 0 : i32
      %dma_wait3A_863 = arith.constant 6 : i32
      %dma_wait3A_864 = arith.constant 0 : i32
      %dma_wait3A_865 = arith.constant 0 : i32
      %dma_wait3A_866 = tpu.memref_slice %arg6[%dma_wait3A_863, %dma_wait3A_864, %dma_wait3A_865] : memref<8x128x64xf32, #tpu.memory_space<vmem>> -> memref<1x128x64xf32, #tpu.memory_space<vmem>>
      %dma_wait3A_867 = tpu.memref_squeeze %dma_wait3A_866 : memref<1x128x64xf32, #tpu.memory_space<vmem>> -> memref<128x64xf32, #tpu.memory_space<vmem>>
      %dma_wait3A_868 = arith.constant 0 : i32
      %dma_wait3A_869 = tpu.memref_slice %arg5[%dma_wait3A_862, %dma_wait3A_868] : memref<200x128xi32, #tpu.memory_space<vmem>> -> memref<1x128xi32, #tpu.memory_space<vmem>>
      %dma_wait3A_870 = tpu.memref_squeeze %dma_wait3A_869 : memref<1x128xi32, #tpu.memory_space<vmem>> -> memref<128xi32, #tpu.memory_space<vmem>>
      %dma_wait3A_871 = arith.constant 0 : i32
      %dma_wait3A_872 = arith.constant 0 : i32
      %dma_wait3A_873 = tpu.memref_slice %arg3[%dma_wait3A_871, %dma_wait3A_872] : memref<1000000x64xf32, #tpu.memory_space<hbm>> -> memref<1000000x64xf32, #tpu.memory_space<hbm>>
      tpu.wait_indirect_dma semaphore(%arg7 : memref<!tpu.dma_semaphore, #tpu.memory_space<semaphore_mem>>) src(%dma_wait3A_873 : memref<1000000x64xf32, #tpu.memory_space<hbm>>) dst(%dma_wait3A_867 : memref<128x64xf32, #tpu.memory_space<vmem>>)
      %add3A_874 = arith.constant 6 : i32
      %add3A_875 = arith.addi %add3A_457, %add3A_874 : i32
      %add3A_876 = arith.addi %mul3A_2, %add3A_875 : i32
      %mul3A_877 = arith.constant 128 : i32
      %mul3A_878 = arith.muli %add3A_876, %mul3A_877 : i32
      %dma_start3A_879 = arith.constant 6 : i32
      %dma_start3A_880 = arith.constant 0 : i32
      %dma_start3A_881 = arith.constant 0 : i32
      %dma_start3A_882 = tpu.memref_slice %arg6[%dma_start3A_879, %dma_start3A_880, %dma_start3A_881] : memref<8x128x64xf32, #tpu.memory_space<vmem>> -> memref<1x128x64xf32, #tpu.memory_space<vmem>>
      %dma_start3A_883 = tpu.memref_squeeze %dma_start3A_882 : memref<1x128x64xf32, #tpu.memory_space<vmem>> -> memref<128x64xf32, #tpu.memory_space<vmem>>
      %dma_start3A_884 = arith.constant 0 : i32
      %dma_start3A_885 = tpu.memref_slice %arg4[%mul3A_878, %dma_start3A_884] : memref<819200x64xf32, #tpu.memory_space<hbm>> -> memref<128x64xf32, #tpu.memory_space<hbm>>
      %dma_start3A_886 = arith.constant 0 : i32
      %dma_start3A_887 = tpu.memref_slice %arg4[%mul3A_878, %dma_start3A_886] : memref<819200x64xf32, #tpu.memory_space<hbm>> -> memref<128x64xf32, #tpu.memory_space<hbm>>
      %dma_start3A_888 = arith.constant 0 : i32
      %dma_start3A_889 = arith.constant 0 : i32
      %dma_start3A_890 = tpu.memref_slice %arg6[%dma_start3A_879, %dma_start3A_888, %dma_start3A_889] : memref<8x128x64xf32, #tpu.memory_space<vmem>> -> memref<1x128x64xf32, #tpu.memory_space<vmem>>
      %dma_start3A_891 = tpu.memref_squeeze %dma_start3A_890 : memref<1x128x64xf32, #tpu.memory_space<vmem>> -> memref<128x64xf32, #tpu.memory_space<vmem>>
      tpu.enqueue_dma source(%dma_start3A_891 : memref<128x64xf32, #tpu.memory_space<vmem>>) target(%dma_start3A_887 : memref<128x64xf32, #tpu.memory_space<hbm>>) target_semaphore(%arg8 : memref<!tpu.dma_semaphore, #tpu.memory_space<semaphore_mem>>)
      %dma_wait3A_892 = arith.constant 0 : i32
      %dma_wait3A_893 = arith.constant 7 : i32
      %dma_wait3A_894 = arith.constant 0 : i32
      %dma_wait3A_895 = arith.constant 0 : i32
      %dma_wait3A_896 = tpu.memref_slice %arg6[%dma_wait3A_893, %dma_wait3A_894, %dma_wait3A_895] : memref<8x128x64xf32, #tpu.memory_space<vmem>> -> memref<1x128x64xf32, #tpu.memory_space<vmem>>
      %dma_wait3A_897 = tpu.memref_squeeze %dma_wait3A_896 : memref<1x128x64xf32, #tpu.memory_space<vmem>> -> memref<128x64xf32, #tpu.memory_space<vmem>>
      %dma_wait3A_898 = arith.constant 0 : i32
      %dma_wait3A_899 = tpu.memref_slice %arg5[%dma_wait3A_892, %dma_wait3A_898] : memref<200x128xi32, #tpu.memory_space<vmem>> -> memref<1x128xi32, #tpu.memory_space<vmem>>
      %dma_wait3A_900 = tpu.memref_squeeze %dma_wait3A_899 : memref<1x128xi32, #tpu.memory_space<vmem>> -> memref<128xi32, #tpu.memory_space<vmem>>
      %dma_wait3A_901 = arith.constant 0 : i32
      %dma_wait3A_902 = arith.constant 0 : i32
      %dma_wait3A_903 = tpu.memref_slice %arg3[%dma_wait3A_901, %dma_wait3A_902] : memref<1000000x64xf32, #tpu.memory_space<hbm>> -> memref<1000000x64xf32, #tpu.memory_space<hbm>>
      tpu.wait_indirect_dma semaphore(%arg7 : memref<!tpu.dma_semaphore, #tpu.memory_space<semaphore_mem>>) src(%dma_wait3A_903 : memref<1000000x64xf32, #tpu.memory_space<hbm>>) dst(%dma_wait3A_897 : memref<128x64xf32, #tpu.memory_space<vmem>>)
      %add3A_904 = arith.constant 7 : i32
      %add3A_905 = arith.addi %add3A_457, %add3A_904 : i32
      %add3A_906 = arith.addi %mul3A_2, %add3A_905 : i32
      %mul3A_907 = arith.constant 128 : i32
      %mul3A_908 = arith.muli %add3A_906, %mul3A_907 : i32
      %dma_start3A_909 = arith.constant 7 : i32
      %dma_start3A_910 = arith.constant 0 : i32
      %dma_start3A_911 = arith.constant 0 : i32
      %dma_start3A_912 = tpu.memref_slice %arg6[%dma_start3A_909, %dma_start3A_910, %dma_start3A_911] : memref<8x128x64xf32, #tpu.memory_space<vmem>> -> memref<1x128x64xf32, #tpu.memory_space<vmem>>
      %dma_start3A_913 = tpu.memref_squeeze %dma_start3A_912 : memref<1x128x64xf32, #tpu.memory_space<vmem>> -> memref<128x64xf32, #tpu.memory_space<vmem>>
      %dma_start3A_914 = arith.constant 0 : i32
      %dma_start3A_915 = tpu.memref_slice %arg4[%mul3A_908, %dma_start3A_914] : memref<819200x64xf32, #tpu.memory_space<hbm>> -> memref<128x64xf32, #tpu.memory_space<hbm>>
      %dma_start3A_916 = arith.constant 0 : i32
      %dma_start3A_917 = tpu.memref_slice %arg4[%mul3A_908, %dma_start3A_916] : memref<819200x64xf32, #tpu.memory_space<hbm>> -> memref<128x64xf32, #tpu.memory_space<hbm>>
      %dma_start3A_918 = arith.constant 0 : i32
      %dma_start3A_919 = arith.constant 0 : i32
      %dma_start3A_920 = tpu.memref_slice %arg6[%dma_start3A_909, %dma_start3A_918, %dma_start3A_919] : memref<8x128x64xf32, #tpu.memory_space<vmem>> -> memref<1x128x64xf32, #tpu.memory_space<vmem>>
      %dma_start3A_921 = tpu.memref_squeeze %dma_start3A_920 : memref<1x128x64xf32, #tpu.memory_space<vmem>> -> memref<128x64xf32, #tpu.memory_space<vmem>>
      tpu.enqueue_dma source(%dma_start3A_921 : memref<128x64xf32, #tpu.memory_space<vmem>>) target(%dma_start3A_917 : memref<128x64xf32, #tpu.memory_space<hbm>>) target_semaphore(%arg8 : memref<!tpu.dma_semaphore, #tpu.memory_space<semaphore_mem>>)
    }
    %scan3A_332 = arith.constant 24 : i32
    %dma_wait3A_333 = arith.constant 0 : i32
    %dma_wait3A_334 = arith.constant 0 : i32
    %dma_wait3A_335 = arith.constant 0 : i32
    %dma_wait3A_336 = tpu.memref_slice %arg6[%dma_wait3A_333, %dma_wait3A_334, %dma_wait3A_335] : memref<8x128x64xf32, #tpu.memory_space<vmem>> -> memref<1x128x64xf32, #tpu.memory_space<vmem>>
    %dma_wait3A_337 = tpu.memref_squeeze %dma_wait3A_336 : memref<1x128x64xf32, #tpu.memory_space<vmem>> -> memref<128x64xf32, #tpu.memory_space<vmem>>
    %dma_wait3A_338 = arith.constant 0 : i32
    %dma_wait3A_339 = arith.constant 0 : i32
    %dma_wait3A_340 = tpu.memref_slice %arg4[%dma_wait3A_338, %dma_wait3A_339] : memref<819200x64xf32, #tpu.memory_space<hbm>> -> memref<128x64xf32, #tpu.memory_space<hbm>>
    %dma_wait3A_341 = arith.constant 0 : i32
    %dma_wait3A_342 = arith.constant 0 : i32
    %dma_wait3A_343 = tpu.memref_slice %arg4[%dma_wait3A_341, %dma_wait3A_342] : memref<819200x64xf32, #tpu.memory_space<hbm>> -> memref<128x64xf32, #tpu.memory_space<hbm>>
    %dma_wait3A_344 = arith.constant 0 : i32
    %dma_wait3A_345 = arith.constant 0 : i32
    %dma_wait3A_346 = tpu.memref_slice %arg6[%dma_wait3A_333, %dma_wait3A_344, %dma_wait3A_345] : memref<8x128x64xf32, #tpu.memory_space<vmem>> -> memref<1x128x64xf32, #tpu.memory_space<vmem>>
    %dma_wait3A_347 = tpu.memref_squeeze %dma_wait3A_346 : memref<1x128x64xf32, #tpu.memory_space<vmem>> -> memref<128x64xf32, #tpu.memory_space<vmem>>
    tpu.wait_dma2 semaphore(%arg8 : memref<!tpu.dma_semaphore, #tpu.memory_space<semaphore_mem>>) src(%dma_wait3A_347 : memref<128x64xf32, #tpu.memory_space<vmem>>) dst(%dma_wait3A_343 : memref<128x64xf32, #tpu.memory_space<hbm>>)
    %dma_wait3A_348 = arith.constant 1 : i32
    %dma_wait3A_349 = arith.constant 0 : i32
    %dma_wait3A_350 = arith.constant 0 : i32
    %dma_wait3A_351 = tpu.memref_slice %arg6[%dma_wait3A_348, %dma_wait3A_349, %dma_wait3A_350] : memref<8x128x64xf32, #tpu.memory_space<vmem>> -> memref<1x128x64xf32, #tpu.memory_space<vmem>>
    %dma_wait3A_352 = tpu.memref_squeeze %dma_wait3A_351 : memref<1x128x64xf32, #tpu.memory_space<vmem>> -> memref<128x64xf32, #tpu.memory_space<vmem>>
    %dma_wait3A_353 = arith.constant 0 : i32
    %dma_wait3A_354 = arith.constant 0 : i32
    %dma_wait3A_355 = tpu.memref_slice %arg4[%dma_wait3A_353, %dma_wait3A_354] : memref<819200x64xf32, #tpu.memory_space<hbm>> -> memref<128x64xf32, #tpu.memory_space<hbm>>
    %dma_wait3A_356 = arith.constant 0 : i32
    %dma_wait3A_357 = arith.constant 0 : i32
    %dma_wait3A_358 = tpu.memref_slice %arg4[%dma_wait3A_356, %dma_wait3A_357] : memref<819200x64xf32, #tpu.memory_space<hbm>> -> memref<128x64xf32, #tpu.memory_space<hbm>>
    %dma_wait3A_359 = arith.constant 0 : i32
    %dma_wait3A_360 = arith.constant 0 : i32
    %dma_wait3A_361 = tpu.memref_slice %arg6[%dma_wait3A_348, %dma_wait3A_359, %dma_wait3A_360] : memref<8x128x64xf32, #tpu.memory_space<vmem>> -> memref<1x128x64xf32, #tpu.memory_space<vmem>>
    %dma_wait3A_362 = tpu.memref_squeeze %dma_wait3A_361 : memref<1x128x64xf32, #tpu.memory_space<vmem>> -> memref<128x64xf32, #tpu.memory_space<vmem>>
    tpu.wait_dma2 semaphore(%arg8 : memref<!tpu.dma_semaphore, #tpu.memory_space<semaphore_mem>>) src(%dma_wait3A_362 : memref<128x64xf32, #tpu.memory_space<vmem>>) dst(%dma_wait3A_358 : memref<128x64xf32, #tpu.memory_space<hbm>>)
    %dma_wait3A_363 = arith.constant 2 : i32
    %dma_wait3A_364 = arith.constant 0 : i32
    %dma_wait3A_365 = arith.constant 0 : i32
    %dma_wait3A_366 = tpu.memref_slice %arg6[%dma_wait3A_363, %dma_wait3A_364, %dma_wait3A_365] : memref<8x128x64xf32, #tpu.memory_space<vmem>> -> memref<1x128x64xf32, #tpu.memory_space<vmem>>
    %dma_wait3A_367 = tpu.memref_squeeze %dma_wait3A_366 : memref<1x128x64xf32, #tpu.memory_space<vmem>> -> memref<128x64xf32, #tpu.memory_space<vmem>>
    %dma_wait3A_368 = arith.constant 0 : i32
    %dma_wait3A_369 = arith.constant 0 : i32
    %dma_wait3A_370 = tpu.memref_slice %arg4[%dma_wait3A_368, %dma_wait3A_369] : memref<819200x64xf32, #tpu.memory_space<hbm>> -> memref<128x64xf32, #tpu.memory_space<hbm>>
    %dma_wait3A_371 = arith.constant 0 : i32
    %dma_wait3A_372 = arith.constant 0 : i32
    %dma_wait3A_373 = tpu.memref_slice %arg4[%dma_wait3A_371, %dma_wait3A_372] : memref<819200x64xf32, #tpu.memory_space<hbm>> -> memref<128x64xf32, #tpu.memory_space<hbm>>
    %dma_wait3A_374 = arith.constant 0 : i32
    %dma_wait3A_375 = arith.constant 0 : i32
    %dma_wait3A_376 = tpu.memref_slice %arg6[%dma_wait3A_363, %dma_wait3A_374, %dma_wait3A_375] : memref<8x128x64xf32, #tpu.memory_space<vmem>> -> memref<1x128x64xf32, #tpu.memory_space<vmem>>
    %dma_wait3A_377 = tpu.memref_squeeze %dma_wait3A_376 : memref<1x128x64xf32, #tpu.memory_space<vmem>> -> memref<128x64xf32, #tpu.memory_space<vmem>>
    tpu.wait_dma2 semaphore(%arg8 : memref<!tpu.dma_semaphore, #tpu.memory_space<semaphore_mem>>) src(%dma_wait3A_377 : memref<128x64xf32, #tpu.memory_space<vmem>>) dst(%dma_wait3A_373 : memref<128x64xf32, #tpu.memory_space<hbm>>)
    %dma_wait3A_378 = arith.constant 3 : i32
    %dma_wait3A_379 = arith.constant 0 : i32
    %dma_wait3A_380 = arith.constant 0 : i32
    %dma_wait3A_381 = tpu.memref_slice %arg6[%dma_wait3A_378, %dma_wait3A_379, %dma_wait3A_380] : memref<8x128x64xf32, #tpu.memory_space<vmem>> -> memref<1x128x64xf32, #tpu.memory_space<vmem>>
    %dma_wait3A_382 = tpu.memref_squeeze %dma_wait3A_381 : memref<1x128x64xf32, #tpu.memory_space<vmem>> -> memref<128x64xf32, #tpu.memory_space<vmem>>
    %dma_wait3A_383 = arith.constant 0 : i32
    %dma_wait3A_384 = arith.constant 0 : i32
    %dma_wait3A_385 = tpu.memref_slice %arg4[%dma_wait3A_383, %dma_wait3A_384] : memref<819200x64xf32, #tpu.memory_space<hbm>> -> memref<128x64xf32, #tpu.memory_space<hbm>>
    %dma_wait3A_386 = arith.constant 0 : i32
    %dma_wait3A_387 = arith.constant 0 : i32
    %dma_wait3A_388 = tpu.memref_slice %arg4[%dma_wait3A_386, %dma_wait3A_387] : memref<819200x64xf32, #tpu.memory_space<hbm>> -> memref<128x64xf32, #tpu.memory_space<hbm>>
    %dma_wait3A_389 = arith.constant 0 : i32
    %dma_wait3A_390 = arith.constant 0 : i32
    %dma_wait3A_391 = tpu.memref_slice %arg6[%dma_wait3A_378, %dma_wait3A_389, %dma_wait3A_390] : memref<8x128x64xf32, #tpu.memory_space<vmem>> -> memref<1x128x64xf32, #tpu.memory_space<vmem>>
    %dma_wait3A_392 = tpu.memref_squeeze %dma_wait3A_391 : memref<1x128x64xf32, #tpu.memory_space<vmem>> -> memref<128x64xf32, #tpu.memory_space<vmem>>
    tpu.wait_dma2 semaphore(%arg8 : memref<!tpu.dma_semaphore, #tpu.memory_space<semaphore_mem>>) src(%dma_wait3A_392 : memref<128x64xf32, #tpu.memory_space<vmem>>) dst(%dma_wait3A_388 : memref<128x64xf32, #tpu.memory_space<hbm>>)
    %dma_wait3A_393 = arith.constant 4 : i32
    %dma_wait3A_394 = arith.constant 0 : i32
    %dma_wait3A_395 = arith.constant 0 : i32
    %dma_wait3A_396 = tpu.memref_slice %arg6[%dma_wait3A_393, %dma_wait3A_394, %dma_wait3A_395] : memref<8x128x64xf32, #tpu.memory_space<vmem>> -> memref<1x128x64xf32, #tpu.memory_space<vmem>>
    %dma_wait3A_397 = tpu.memref_squeeze %dma_wait3A_396 : memref<1x128x64xf32, #tpu.memory_space<vmem>> -> memref<128x64xf32, #tpu.memory_space<vmem>>
    %dma_wait3A_398 = arith.constant 0 : i32
    %dma_wait3A_399 = arith.constant 0 : i32
    %dma_wait3A_400 = tpu.memref_slice %arg4[%dma_wait3A_398, %dma_wait3A_399] : memref<819200x64xf32, #tpu.memory_space<hbm>> -> memref<128x64xf32, #tpu.memory_space<hbm>>
    %dma_wait3A_401 = arith.constant 0 : i32
    %dma_wait3A_402 = arith.constant 0 : i32
    %dma_wait3A_403 = tpu.memref_slice %arg4[%dma_wait3A_401, %dma_wait3A_402] : memref<819200x64xf32, #tpu.memory_space<hbm>> -> memref<128x64xf32, #tpu.memory_space<hbm>>
    %dma_wait3A_404 = arith.constant 0 : i32
    %dma_wait3A_405 = arith.constant 0 : i32
    %dma_wait3A_406 = tpu.memref_slice %arg6[%dma_wait3A_393, %dma_wait3A_404, %dma_wait3A_405] : memref<8x128x64xf32, #tpu.memory_space<vmem>> -> memref<1x128x64xf32, #tpu.memory_space<vmem>>
    %dma_wait3A_407 = tpu.memref_squeeze %dma_wait3A_406 : memref<1x128x64xf32, #tpu.memory_space<vmem>> -> memref<128x64xf32, #tpu.memory_space<vmem>>
    tpu.wait_dma2 semaphore(%arg8 : memref<!tpu.dma_semaphore, #tpu.memory_space<semaphore_mem>>) src(%dma_wait3A_407 : memref<128x64xf32, #tpu.memory_space<vmem>>) dst(%dma_wait3A_403 : memref<128x64xf32, #tpu.memory_space<hbm>>)
    %dma_wait3A_408 = arith.constant 5 : i32
    %dma_wait3A_409 = arith.constant 0 : i32
    %dma_wait3A_410 = arith.constant 0 : i32
    %dma_wait3A_411 = tpu.memref_slice %arg6[%dma_wait3A_408, %dma_wait3A_409, %dma_wait3A_410] : memref<8x128x64xf32, #tpu.memory_space<vmem>> -> memref<1x128x64xf32, #tpu.memory_space<vmem>>
    %dma_wait3A_412 = tpu.memref_squeeze %dma_wait3A_411 : memref<1x128x64xf32, #tpu.memory_space<vmem>> -> memref<128x64xf32, #tpu.memory_space<vmem>>
    %dma_wait3A_413 = arith.constant 0 : i32
    %dma_wait3A_414 = arith.constant 0 : i32
    %dma_wait3A_415 = tpu.memref_slice %arg4[%dma_wait3A_413, %dma_wait3A_414] : memref<819200x64xf32, #tpu.memory_space<hbm>> -> memref<128x64xf32, #tpu.memory_space<hbm>>
    %dma_wait3A_416 = arith.constant 0 : i32
    %dma_wait3A_417 = arith.constant 0 : i32
    %dma_wait3A_418 = tpu.memref_slice %arg4[%dma_wait3A_416, %dma_wait3A_417] : memref<819200x64xf32, #tpu.memory_space<hbm>> -> memref<128x64xf32, #tpu.memory_space<hbm>>
    %dma_wait3A_419 = arith.constant 0 : i32
    %dma_wait3A_420 = arith.constant 0 : i32
    %dma_wait3A_421 = tpu.memref_slice %arg6[%dma_wait3A_408, %dma_wait3A_419, %dma_wait3A_420] : memref<8x128x64xf32, #tpu.memory_space<vmem>> -> memref<1x128x64xf32, #tpu.memory_space<vmem>>
    %dma_wait3A_422 = tpu.memref_squeeze %dma_wait3A_421 : memref<1x128x64xf32, #tpu.memory_space<vmem>> -> memref<128x64xf32, #tpu.memory_space<vmem>>
    tpu.wait_dma2 semaphore(%arg8 : memref<!tpu.dma_semaphore, #tpu.memory_space<semaphore_mem>>) src(%dma_wait3A_422 : memref<128x64xf32, #tpu.memory_space<vmem>>) dst(%dma_wait3A_418 : memref<128x64xf32, #tpu.memory_space<hbm>>)
    %dma_wait3A_423 = arith.constant 6 : i32
    %dma_wait3A_424 = arith.constant 0 : i32
    %dma_wait3A_425 = arith.constant 0 : i32
    %dma_wait3A_426 = tpu.memref_slice %arg6[%dma_wait3A_423, %dma_wait3A_424, %dma_wait3A_425] : memref<8x128x64xf32, #tpu.memory_space<vmem>> -> memref<1x128x64xf32, #tpu.memory_space<vmem>>
    %dma_wait3A_427 = tpu.memref_squeeze %dma_wait3A_426 : memref<1x128x64xf32, #tpu.memory_space<vmem>> -> memref<128x64xf32, #tpu.memory_space<vmem>>
    %dma_wait3A_428 = arith.constant 0 : i32
    %dma_wait3A_429 = arith.constant 0 : i32
    %dma_wait3A_430 = tpu.memref_slice %arg4[%dma_wait3A_428, %dma_wait3A_429] : memref<819200x64xf32, #tpu.memory_space<hbm>> -> memref<128x64xf32, #tpu.memory_space<hbm>>
    %dma_wait3A_431 = arith.constant 0 : i32
    %dma_wait3A_432 = arith.constant 0 : i32
    %dma_wait3A_433 = tpu.memref_slice %arg4[%dma_wait3A_431, %dma_wait3A_432] : memref<819200x64xf32, #tpu.memory_space<hbm>> -> memref<128x64xf32, #tpu.memory_space<hbm>>
    %dma_wait3A_434 = arith.constant 0 : i32
    %dma_wait3A_435 = arith.constant 0 : i32
    %dma_wait3A_436 = tpu.memref_slice %arg6[%dma_wait3A_423, %dma_wait3A_434, %dma_wait3A_435] : memref<8x128x64xf32, #tpu.memory_space<vmem>> -> memref<1x128x64xf32, #tpu.memory_space<vmem>>
    %dma_wait3A_437 = tpu.memref_squeeze %dma_wait3A_436 : memref<1x128x64xf32, #tpu.memory_space<vmem>> -> memref<128x64xf32, #tpu.memory_space<vmem>>
    tpu.wait_dma2 semaphore(%arg8 : memref<!tpu.dma_semaphore, #tpu.memory_space<semaphore_mem>>) src(%dma_wait3A_437 : memref<128x64xf32, #tpu.memory_space<vmem>>) dst(%dma_wait3A_433 : memref<128x64xf32, #tpu.memory_space<hbm>>)
    %dma_wait3A_438 = arith.constant 7 : i32
    %dma_wait3A_439 = arith.constant 0 : i32
    %dma_wait3A_440 = arith.constant 0 : i32
    %dma_wait3A_441 = tpu.memref_slice %arg6[%dma_wait3A_438, %dma_wait3A_439, %dma_wait3A_440] : memref<8x128x64xf32, #tpu.memory_space<vmem>> -> memref<1x128x64xf32, #tpu.memory_space<vmem>>
    %dma_wait3A_442 = tpu.memref_squeeze %dma_wait3A_441 : memref<1x128x64xf32, #tpu.memory_space<vmem>> -> memref<128x64xf32, #tpu.memory_space<vmem>>
    %dma_wait3A_443 = arith.constant 0 : i32
    %dma_wait3A_444 = arith.constant 0 : i32
    %dma_wait3A_445 = tpu.memref_slice %arg4[%dma_wait3A_443, %dma_wait3A_444] : memref<819200x64xf32, #tpu.memory_space<hbm>> -> memref<128x64xf32, #tpu.memory_space<hbm>>
    %dma_wait3A_446 = arith.constant 0 : i32
    %dma_wait3A_447 = arith.constant 0 : i32
    %dma_wait3A_448 = tpu.memref_slice %arg4[%dma_wait3A_446, %dma_wait3A_447] : memref<819200x64xf32, #tpu.memory_space<hbm>> -> memref<128x64xf32, #tpu.memory_space<hbm>>
    %dma_wait3A_449 = arith.constant 0 : i32
    %dma_wait3A_450 = arith.constant 0 : i32
    %dma_wait3A_451 = tpu.memref_slice %arg6[%dma_wait3A_438, %dma_wait3A_449, %dma_wait3A_450] : memref<8x128x64xf32, #tpu.memory_space<vmem>> -> memref<1x128x64xf32, #tpu.memory_space<vmem>>
    %dma_wait3A_452 = tpu.memref_squeeze %dma_wait3A_451 : memref<1x128x64xf32, #tpu.memory_space<vmem>> -> memref<128x64xf32, #tpu.memory_space<vmem>>
    tpu.wait_dma2 semaphore(%arg8 : memref<!tpu.dma_semaphore, #tpu.memory_space<semaphore_mem>>) src(%dma_wait3A_452 : memref<128x64xf32, #tpu.memory_space<vmem>>) dst(%dma_wait3A_448 : memref<128x64xf32, #tpu.memory_space<hbm>>)
    return
  }
}

</mosaic_0001>

<sc_bundles>
// kernel: kernel.3.cloned.1.call-start
scs
__scs_entry_jumppad:
0x0: {  	(pc) =	sbr.rel $0x88, $3  }
0x1: {  	(tag) =	ssettag $0x0;
	lr =	simm.s32 $0x1  }
0x2: {  	[smem:$0x3F9F] =	sst lr;
	_ =	strace $0xD0000000  }
0x3: {  	_ = 	snop  }
0x4: {  	_ = 	snop  }
0x5: {  	_ = 	snop  }
0x6: {  	_ = 	snop  }
0x7: {  	_ = 	snop  }
__scs_overlays_trampoline_lowered:
0x8: {  	[smem:$0x3FAE] =	sst s0  }
0x9: {  	[smem:$0x3FAF] =	sst s1  }
0xa: {  	[smem:$0x3FB0] =	sst s2  }
0xb: {  	[smem:$0x3FB1] =	sst s3  }
0xc: {  	[smem:$0x3FB2] =	sst s4  }
0xd: {  	[smem:$0x3FB3] =	sst s5  }
0xe: {  	[smem:$0x3FB4] =	sst s6  }
0xf: {  	[smem:$0x3FB5] =	sst s7  }
0x10: {  	[smem:$0x3FB6] =	sst s8  }
0x11: {  	[smem:$0x3FB7] =	sst s9;
	s0 =	simm.s32 @!p0 $0x0  }
0x12: {  	s1 =	sld [smem:$0x3F9D];
	s0 =	simm.s32 @p0 $0x1  }
0x13: {  	[smem:$0x3FB8] =	sst s0;
	s0 =	simm.s32 @!p1 $0x0  }
0x14: {  	s2 =	sld [smem:$0x3F9C];
	s0 =	simm.s32 @p1 $0x1  }
0x15: {  	[smem:$0x3FB9] =	sst s0;
	s0 =	simm.s32 @!p2 $0x0  }
0x16: {  	s3 =	sld [smem:$0x3FDB];
	s0 =	simm.s32 @p2 $0x1  }
0x17: {  	s4 =	simm.s32 $0x1BF5;
	[smem:$0x3FBB] =	sst s0  }
0x18: {  	s0 =	sld [smem:$0x3F9E];
	_ =	swait.ge [sflag:s4], $0x0  }
0x19: {  	s7 =	sld [smem:$0x3F9F]  }
0x1a: {  	s8 =	sadd.s32 $0xFFFFE003, lr  }
0x1b: {  	s9 =	sadd.s32 $0xFFFFFEF7, lr;
	s5 =	simm.s32 $0xFFFFFFFF;
	p2 =	slt.u32 s8, $0xFFFFF086  }
0x1c: {  	p1 =	slt.u32 s9, $0xF7A;
	s5 =	simm.s32 @!p2 $0x0  }
0x1d: {  	s5 =	simm.s32 @p1 $0x1;
	p0 =	seq.s32 s7, s2  }
0x1e: {  	s7 =	smul.u32 @!p0 $0xF7A, s2;
	p2 =	seq.s32 @!p0 s5, $0x0  }
0x1f: {  	s9 =	smul.u32 $0xF7A, s1;
	s8 =	simm.s32 @!p0 $0x1BF5;
	p2 =	por !p2, p0  }
0x20: {  	[sflag:s8] =	ssyncset.s32 @!p0 $0xFFFFF086;
	s6 =	sadd.s32 @!p0 s3, s7;
	s7 =	simm.s32 @!p0 $0x108  }
0x21: {  	s3 =	sadd.s32 s3, s9;
	s6 =	sadd.s32 @!p0 $0x88, s6;
	s7 =	simm.s32 @p2 $0x1082  }
0x22: {  	[simem:s7], [sflag:s8] =	dma.local @!p0 [hbm:s6], $0xF7A  }
0x23: {  	s9 =	sor.u32 $0xD0000000, s2;
	s6 =	simm.s32 $0x108;
	_ =	swait.ge @!p0 [sflag:s8], $0x0  }
0x24: {  	s3 =	sadd.s32 $0x88, s3;
	s6 =	simm.s32 @!p1 $0x1082;
	[sflag:s4] =	ssyncset.s32 $0xFFFFF086  }
0x25: {  	[simem:s6], [sflag:s4] =	dma.local [hbm:s3], $0xF7A  }
0x26: {  	[smem:$0x3F9F] =	sst s1;
	(tag) =	ssettag s2;
	_ =	strace s9  }
0x27: {  	s1 =	sld [smem:$0x3FAF]  }
0x28: {  	s2 =	sld [smem:$0x3FB0]  }
0x29: {  	s4 =	sld [smem:$0x3FB2]  }
0x2a: {  	p0 =	seq.s32 s5, $0x0;
	s5 =	sld [smem:$0x3FB3]  }
0x2b: {  	s6 =	sld [smem:$0x3FB4]  }
0x2c: {  	s7 =	sld [smem:$0x3FB5]  }
0x2d: {  	s3 =	simm.s32 $0x108;
	s8 =	sld [smem:$0x3FB6]  }
0x2e: {  	s3 =	simm.s32 @!p0 $0x1082;
	s9 =	sld [smem:$0x3FB7]  }
0x2f: {  	lr =	sadd.s32 s0, s3;
	s0 =	sld [smem:$0x3FAE]  }
0x30: {  	s3 =	sld [smem:$0x3FB1]  }
0x31: {  	[smem:$0x3FBA] =	sst s10  }
0x32: {  	s10 =	sld [smem:$0x3FB8];
	_ =	sdelay $0x3  }
0x33: {  	p0 =	seq.s32 s10, $0x1;
	s10 =	sld [smem:$0x3FBA];
	_ =	sdelay $0x3  }
0x34: {  	[smem:$0x3FBA] =	sst s10  }
0x35: {  	s10 =	sld [smem:$0x3FB9];
	_ =	sdelay $0x3  }
0x36: {  	p1 =	seq.s32 s10, $0x1;
	s10 =	sld [smem:$0x3FBA];
	_ =	sdelay $0x3  }
0x37: {  	[smem:$0x3FBA] =	sst s10  }
0x38: {  	s10 =	sld [smem:$0x3FBB]  }
0x39: {  	_ = 	snop;
	(pc) =	sbr.ind lr, $3  }
0x3a: {  	_ = 	snop  }
0x3b: {  	_ = 	snop  }
0x3c: {  	p2 =	seq.s32 s10, $0x1;
	s10 =	sld [smem:$0x3FBA]  }
0x3d: {  	_ =	shalt  }
0x3e: {  	_ =	shalt  }
0x3f: {  	_ =	shalt  }
0x40: {  	_ =	shalt  }
0x41: {  	_ =	shalt  }
0x42: {  	_ =	shalt  }
0x43: {  	_ =	shalt  }
0x44: {  	_ =	shalt  }
0x45: {  	_ =	shalt  }
0x46: {  	_ =	shalt  }
0x47: {  	_ =	shalt  }
0x48: {  	_ =	shalt  }
0x49: {  	_ =	shalt  }
0x4a: {  	_ =	shalt  }
0x4b: {  	_ =	shalt  }
0x4c: {  	_ =	shalt  }
0x4d: {  	_ =	shalt  }
0x4e: {  	_ =	shalt  }
0x4f: {  	_ =	shalt  }
0x50: {  	_ =	shalt  }
0x51: {  	_ =	shalt  }
0x52: {  	_ =	shalt  }
0x53: {  	_ =	shalt  }
0x54: {  	_ =	shalt  }
0x55: {  	_ =	shalt  }
0x56: {  	_ =	shalt  }
0x57: {  	_ =	shalt  }
0x58: {  	_ =	shalt  }
0x59: {  	_ =	shalt  }
0x5a: {  	_ =	shalt  }
0x5b: {  	_ =	shalt  }
0x5c: {  	_ =	shalt  }
0x5d: {  	_ =	shalt  }
0x5e: {  	_ =	shalt  }
0x5f: {  	_ =	shalt  }
0x60: {  	_ =	shalt  }
0x61: {  	_ =	shalt  }
0x62: {  	_ =	shalt  }
0x63: {  	_ =	shalt  }
0x64: {  	_ =	shalt  }
0x65: {  	_ =	shalt  }
0x66: {  	_ =	shalt  }
0x67: {  	_ =	shalt  }
0x68: {  	_ =	shalt  }
0x69: {  	_ =	shalt  }
0x6a: {  	_ =	shalt  }
0x6b: {  	_ =	shalt  }
0x6c: {  	_ =	shalt  }
0x6d: {  	_ =	shalt  }
0x6e: {  	_ =	shalt  }
0x6f: {  	_ =	shalt  }
0x70: {  	_ =	shalt  }
0x71: {  	_ =	shalt  }
0x72: {  	_ =	shalt  }
0x73: {  	_ =	shalt  }
0x74: {  	_ =	shalt  }
0x75: {  	_ =	shalt  }
0x76: {  	_ =	shalt  }
0x77: {  	_ =	shalt  }
0x78: {  	_ =	shalt  }
0x79: {  	_ =	shalt  }
0x7a: {  	_ =	shalt  }
0x7b: {  	_ =	shalt  }
0x7c: {  	_ =	shalt  }
0x7d: {  	_ =	shalt  }
0x7e: {  	_ =	shalt  }
0x7f: {  	_ =	shalt  }
0x80: {  	_ =	shalt  }
0x81: {  	_ =	shalt  }
0x82: {  	_ =	shalt  }
0x83: {  	_ =	shalt  }
0x84: {  	_ =	shalt  }
0x85: {  	_ =	shalt  }
0x86: {  	_ =	shalt  }
0x87: {  	_ =	shalt  }
.Lfunc_end0:
.L_simem_size_0:
called_computation.1_lowered:
.L_overlay_start_0:
0x88: {  	s2 =	sld [smem:$0x3FD9]  }
0x89: {  	s3 =	sld [smem:$0x3FFE];
	_ =	sdelay $0x1  }
0x8a: {  	s1 =	srdreg.scid  }
0x8b: {  	s0 =	sand.u32 $0x1, s1  }
0x8c: {  	s17 =	sshll.u32 s0, $0xA;
	s2 =	sadd.s32 s3, s2  }
0x8d: {  	s2 =	sadd.s32 s2, s17  }
0x8e: {  	[smem:$0x3FC6] =	sst s2  }
0x8f: {  	_ = 	snop  }
0x90: {  	s2 =	sld [smem:$0x3FD0];
	(tm) =	ssettm $0x1  }
0x91: {  	s18 =	sld [smem:$0x3FFB];
	_ =	sdelay $0x3  }
0x92: {  	_ =	strace s18  }
0x93: {  	s3 =	sld [smem:$0x3FFC];
	_ =	sdelay $0x3  }
0x94: {  	_ =	strace s3  }
0x95: {  	s3 =	sld [smem:$0x3FFD];
	_ =	sdelay $0x3  }
0x96: {  	_ =	strace s3  }
0x97: {  	_ =	strace $0x8FFFFFFF  }
0x98: {  	s19 =	sld [smem:$0x3FDB];
	_ =	sdelay $0x1  }
0x99: {  	s4 =	simm.s32 $_scs_section_size  }
0x9a: {  	s5 =	simm.s32 $_size__tile_overlayer_lowered;
	s6 =	simm.s32 $_tile_overlayer_lowered  }
0x9b: {  	s22 =	simm.s32 $0x1BFF;
	s21 =	sshll.u32 s6, $0x1;
	s3 =	sadd.s32 s4, s19  }
0x9c: {  	s7 =	simm.s32 $0x0;
	s20 =	sshll.u32 s5, $0x1;
	s5 =	sadd.s32 s21, s3  }
0x9d: {  	[timem:s7], [sflag:s22] =	dma.local [hbm:s5], s20  }
0x9e: {  	_ =	swait.ge [sflag:s22], s20  }
0x9f: {  	s4 =	ssub.s32 $0x0, s20;
	[sflag:s22] =	ssyncset.done $0x0  }
0xa0: {  	[sflag:s22] =	ssyncadd.s32 s4;
	_ =	sdelay $0x1  }
0xa1: {  	s23 =	simm.s32 $0x1B8B  }
0xa2: {  	_ =	swait.ge [sflag:s23], $0x1  }
0xa3: {  	[sflag:s23] =	ssyncset.done $0x0  }
0xa4: {  	s25 =	simm.s32 $0x1B8E;
	s24 =	sld [smem:$0x3FFE];
	[sflag:s23] =	ssyncadd.s32 $0xFFFFFFFF  }
0xa5: {  	s26 =	simm.s32 $execute0_lowered;
	[smem:$0x3FD2] =	sst s25  }
0xa6: {  	s5 =	sshll.u32 s26, $0x1;
	_ =	strace $0x80000046;
	[dreg:$0x1] =	wrdreg $0xFFFFFFFF  }
0xa7: {  	s28 =	simm.s32 $_size_execute0_lowered;
	s3 =	sadd.s32 s3, s5;
	[dreg:$0x0] =	wrdreg $0x0  }
0xa8: {  	s5 =	sshll.u32 s28, $0x1;
	[dreg:$0x2] =	wrdreg s3  }
0xa9: {  	[dreg:$0x3] =	wrdreg s5  }
0xaa: {  	[dreg:$0x4] =	wrdreg $0xC0  }
0xab: {  	_ =	task [dreg:s7], $0x5FFFF  }
0xac: {  	[dreg:$0x1] =	wrdreg $0xFFFFFFFF  }
0xad: {  	[dreg:$0x0] =	wrdreg $0x60  }
0xae: {  	[dreg:$0x2] =	wrdreg s24  }
0xaf: {  	[dreg:$0x3] =	wrdreg s2  }
0xb0: {  	[dreg:$0x4] =	wrdreg $0x9  }
0xb1: {  	_ =	task.clear_ibuf [dreg:s7], $0x5FFFF;
	_ =	strace $0x90000046  }
0xb2: {  	s29 =	simm.s32 $0x9;
	_ =	strace $0x80000048  }
0xb3: {  	_ =	swait.ge [sflag:s29], $0x1  }
0xb4: {  	[sflag:s29] =	ssyncadd.s32 $0xFFFFFFFF  }
0xb5: {  	_ =	strace $0x90000048  }
0xb6: {  	_ =	sfence  }
0xb7: {  	s30 =	sld [smem:$0x0];
	_ =	sdelay $0x2  }
0xb8: {  	s31 =	sshll.u32 s1, $0xD;
	s1 =	sshrl.u32 s1, $0x2  }
0xb9: {  	s3 =	sand.u32 $0x4000, s31;
	s1 =	sadd.s32 s1, s30  }
0xba: {  	s0 =	sor.u32 s3, s0;
	s1 =	sshll.u32 s1, $0x11  }
0xbb: {  	s0 =	sor.u32 s1, s0  }
0xbc: {  	s0 =	sadd.s32 $0x8F2B, s0  }
0xbd: {  	[sflag:s0] =	ssyncadd.remote.s32 $0x1  }
0xbe: {  	_ =	sfence.sel $0xFFFF  }
0xbf: {  	[dreg:$0x0] =	wrdreg $0xFFFFFFFF;
	(pc) =	sbr.abs _section_cstart, $3  }
0xc0: {  	[dreg:$0x1] =	wrdreg $0xFFFFFFFF  }
0xc1: {  	_ =	task.clear_ibuf [dreg:s7], $0x2FFFF;
	_ =	strace $0x9FFFFFFF  }
0xc2: {  	(tm) =	ssettm $0x7FFFFFFF  }
0xc3: {  	_ =	shalt  }
tec
execute0_lowered:
.L_overlay_start_1:
0x0: {  	(tag) =	ssettag $0x1  }
0x1: {  	s0 =	srdreg.scid;
	s4 =	rddreg [dreg:$0x0]  }
0x2: {  	s7 =	stileid.u32;
	s2 =	rddreg [dreg:$0x1];
	s3 =	simm.s32 $0x0  }
0x3: {  	s15 =	simm.s32 $0x3;
	s16 =	simm.s32 $0x80;
	s17 =	simm.s32 $0x6400  }
0x4: {  	s18 =	simm.s32 $0x8400;
	s20 =	simm.s32 $0xA400;
	s22 =	simm.s32 $0xC400  }
0x5: {  	s24 =	simm.s32 $0xE400;
	s29 =	simm.s32 $0x12400;
	s30 =	simm.s32 $0x380  }
0x6: {  	s0 =	sand.u32 $0x1, s0;
	s1 =	sshll.u32 s7, $0x1;
	s7 =	smul.u32 $0x190, s7  }
0x7: {  	s1 =	sor.u32 s0, s1;
	s6 =	ssub.s32 $0x2, s0;
	s0 =	smul.u32 $0xC8, s0  }
0x8: {  	s31 =	simm.s32 $0x14400;
	s19 =	simm.s32 $0x0;
	s5 =	smul.u32 $0xC80, s1  }
0x9: {  	[smem:$0x7FF] =	sst s3;
	s1 =	smul.u32 $0x32000, s1;
	s8 =	sshrl.u32 s6, $0x1  }
0xa: {  	_ =	strace $0x80000047;
	s14 =	ssub.s32 s6, s8;
	s0 =	sadd.s32 s0, s7  }
0xb: {  	s5 =	sadd.s32 s5, s4;
	s4 =	sadd.s32 $0xF42E00, s4;
	s6 =	sadd.s32 s2, s1  }
0xc: {  	s0 =	sshll.u32 s0, $0xA;
	s14 =	smax.u32 s14, $0x1;
	s1 =	simm.s32 $0x1  }
0xd: {  	s5 =	sadd.s32 $0xA00, s5;
	s7 =	sadd.s32 $0x400, s6;
	s8 =	sadd.s32 $0x800, s6  }
0xe: {  	s9 =	sadd.s32 $0xC00, s6;
	s10 =	sadd.s32 $0x1000, s6;
	s25 =	sadd.s32 $0x2000, s0  }
0xf: {  	s11 =	sadd.s32 $0x1400, s6;
	s26 =	sadd.s32 $0x2800, s0;
	[dreg:$0x3] =	wrdreg s25  }
0x10: {  	s12 =	sadd.s32 $0x1800, s6;
	s28 =	sadd.s32 $0x3000, s0;
	[dreg:$0x4] =	wrdreg s26  }
0x11: {  	s13 =	sadd.s32 $0x1C00, s6;
	s0 =	sadd.s32 $0x3800, s0;
	[dreg:$0x5] =	wrdreg s28  }
0x12: {  	[dreg:$0x6] =	wrdreg s0;
	s26 =	simm.s32 $0x10400;
	s0 =	simm.s32 $0x2  }
.LBB2_1:
0x13: {  	[tilespmem:s3], [sflag:$0x3] =	stream.linear.gather [hbm4b:s5+s3], $0x6400, $0x38;
	[tilespmem:$0x16400] =	vst v63  }
0x14: {  	_ =	swait.ge [sflag:s15], $0x6400  }
0x15: {  	[sflag:s15] =	ssyncset.done $0x0  }
0x16: {  	[sflag:s15] =	ssyncadd.s32 $0xFFFF9C00  }
0x17: {  	[tilespmem:s17], [sflag:$0x1] =	stream.indirect.gather [hbm4b:s4+s16], $0x40, s3, s16, $0xb8;
	[tilespmem:$0x16400] =	vst v63  }
0x18: {  	_ = 	snop  }
0x19: {  	[tilespmem:s18], [sflag:$0x1] =	stream.indirect.gather [hbm4b:s4+s16], $0x40, s16, s16, $0xb8;
	[tilespmem:$0x16400] =	vst v63  }
0x1a: {  	s21 =	simm.s32 $0x100  }
0x1b: {  	[tilespmem:s20], [sflag:$0x1] =	stream.indirect.gather [hbm4b:s4+s16], $0x40, s21, s16, $0xb8;
	[tilespmem:$0x16400] =	vst v63  }
0x1c: {  	s25 =	simm.s32 $0x180  }
0x1d: {  	[tilespmem:s22], [sflag:$0x1] =	stream.indirect.gather [hbm4b:s4+s16], $0x40, s25, s16, $0xb8;
	[tilespmem:$0x16400] =	vst v63  }
0x1e: {  	s28 =	simm.s32 $0x200  }
0x1f: {  	[tilespmem:s24], [sflag:$0x1] =	stream.indirect.gather [hbm4b:s4+s16], $0x40, s28, s16, $0xb8;
	[tilespmem:$0x16400] =	vst v63  }
0x20: {  	s23 =	simm.s32 $0x280  }
0x21: {  	[tilespmem:s26], [sflag:$0x1] =	stream.indirect.gather [hbm4b:s4+s16], $0x40, s23, s16, $0xb8;
	[tilespmem:$0x16400] =	vst v63  }
0x22: {  	s25 =	simm.s32 $0x300  }
0x23: {  	[tilespmem:s29], [sflag:$0x1] =	stream.indirect.gather [hbm4b:s4+s16], $0x40, s25, s16, $0xb8;
	[tilespmem:$0x16400] =	vst v63  }
0x24: {  	_ = 	snop  }
0x25: {  	[tilespmem:s31], [sflag:$0x1] =	stream.indirect.gather [hbm4b:s4+s16], $0x40, s30, s16, $0xb8;
	[tilespmem:$0x16400] =	vst v63  }
0x26: {  	_ =	swait.ge [sflag:s1], $0x2000  }
0x27: {  	[sflag:s1] =	ssyncset.done $0x0  }
0x28: {  	[sflag:s1] =	ssyncadd.s32 $0xFFFFE000  }
0x29: {  	[hbm4b:s6+s3] =	stream.linear.scatter [tilespmem:s17], [sflag:$0x2], $0x2000, $0x38;
	[tilespmem:$0x16400] =	vst v63  }
0x2a: {  	_ =	swait.ge [sflag:s1], $0x2000  }
0x2b: {  	[sflag:s1] =	ssyncset.done $0x0  }
0x2c: {  	[sflag:s1] =	ssyncadd.s32 $0xFFFFE000  }
0x2d: {  	[hbm4b:s7+s3] =	stream.linear.scatter [tilespmem:s18], [sflag:$0x2], $0x2000, $0x38;
	[tilespmem:$0x16400] =	vst v63  }
0x2e: {  	_ =	swait.ge [sflag:s1], $0x2000  }
0x2f: {  	[sflag:s1] =	ssyncset.done $0x0  }
0x30: {  	[sflag:s1] =	ssyncadd.s32 $0xFFFFE000  }
0x31: {  	[hbm4b:s8+s3] =	stream.linear.scatter [tilespmem:s20], [sflag:$0x2], $0x2000, $0x38;
	[tilespmem:$0x16400] =	vst v63  }
0x32: {  	_ =	swait.ge [sflag:s1], $0x2000  }
0x33: {  	[sflag:s1] =	ssyncset.done $0x0  }
0x34: {  	[sflag:s1] =	ssyncadd.s32 $0xFFFFE000  }
0x35: {  	[hbm4b:s9+s3] =	stream.linear.scatter [tilespmem:s22], [sflag:$0x2], $0x2000, $0x38;
	[tilespmem:$0x16400] =	vst v63  }
0x36: {  	_ =	swait.ge [sflag:s1], $0x2000  }
0x37: {  	[sflag:s1] =	ssyncset.done $0x0  }
0x38: {  	[sflag:s1] =	ssyncadd.s32 $0xFFFFE000  }
0x39: {  	[hbm4b:s10+s3] =	stream.linear.scatter [tilespmem:s24], [sflag:$0x2], $0x2000, $0x38;
	[tilespmem:$0x16400] =	vst v63  }
0x3a: {  	_ =	swait.ge [sflag:s1], $0x2000  }
0x3b: {  	[sflag:s1] =	ssyncset.done $0x0  }
0x3c: {  	[sflag:s1] =	ssyncadd.s32 $0xFFFFE000  }
0x3d: {  	[hbm4b:s11+s3] =	stream.linear.scatter [tilespmem:s26], [sflag:$0x2], $0x2000, $0x38;
	[tilespmem:$0x16400] =	vst v63  }
0x3e: {  	_ =	swait.ge [sflag:s1], $0x2000  }
0x3f: {  	[sflag:s1] =	ssyncset.done $0x0  }
0x40: {  	[sflag:s1] =	ssyncadd.s32 $0xFFFFE000  }
0x41: {  	[hbm4b:s12+s3] =	stream.linear.scatter [tilespmem:s29], [sflag:$0x2], $0x2000, $0x38;
	[tilespmem:$0x16400] =	vst v63  }
0x42: {  	_ =	swait.ge [sflag:s1], $0x2000  }
0x43: {  	[sflag:s1] =	ssyncset.done $0x0  }
0x44: {  	[sflag:s1] =	ssyncadd.s32 $0xFFFFE000  }
0x45: {  	[hbm4b:s13+s3] =	stream.linear.scatter [tilespmem:s31], [sflag:$0x2], $0x2000, $0x38;
	[tilespmem:$0x16400] =	vst v63  }
0x46: {  	_ =	swait.ge [sflag:s0], $0x2000  }
0x47: {  	[sflag:s0] =	ssyncset.done $0x0  }
0x48: {  	s28 =	simm.s32 $0x400;
	[sflag:s0] =	ssyncadd.s32 $0xFFFFE000  }
0x49: {  	[tilespmem:s17], [sflag:$0x1] =	stream.indirect.gather [hbm4b:s4+s16], $0x40, s28, s16, $0xb8;
	[tilespmem:$0x16400] =	vst v63  }
0x4a: {  	_ =	swait.ge [sflag:s0], $0x2000  }
0x4b: {  	[sflag:s0] =	ssyncset.done $0x0  }
0x4c: {  	s23 =	simm.s32 $0x480;
	[sflag:s0] =	ssyncadd.s32 $0xFFFFE000  }
0x4d: {  	[tilespmem:s18], [sflag:$0x1] =	stream.indirect.gather [hbm4b:s4+s16], $0x40, s23, s16, $0xb8;
	[tilespmem:$0x16400] =	vst v63  }
0x4e: {  	_ =	swait.ge [sflag:s0], $0x2000  }
0x4f: {  	[sflag:s0] =	ssyncset.done $0x0  }
0x50: {  	s25 =	simm.s32 $0x500;
	[sflag:s0] =	ssyncadd.s32 $0xFFFFE000  }
0x51: {  	[tilespmem:s20], [sflag:$0x1] =	stream.indirect.gather [hbm4b:s4+s16], $0x40, s25, s16, $0xb8;
	[tilespmem:$0x16400] =	vst v63  }
0x52: {  	_ =	swait.ge [sflag:s0], $0x2000  }
0x53: {  	[sflag:s0] =	ssyncset.done $0x0  }
0x54: {  	s28 =	simm.s32 $0x580;
	[sflag:s0] =	ssyncadd.s32 $0xFFFFE000  }
0x55: {  	[tilespmem:s22], [sflag:$0x1] =	stream.indirect.gather [hbm4b:s4+s16], $0x40, s28, s16, $0xb8;
	[tilespmem:$0x16400] =	vst v63  }
0x56: {  	_ =	swait.ge [sflag:s0], $0x2000  }
0x57: {  	[sflag:s0] =	ssyncset.done $0x0  }
0x58: {  	s23 =	simm.s32 $0x600;
	[sflag:s0] =	ssyncadd.s32 $0xFFFFE000  }
0x59: {  	[tilespmem:s24], [sflag:$0x1] =	stream.indirect.gather [hbm4b:s4+s16], $0x40, s23, s16, $0xb8;
	[tilespmem:$0x16400] =	vst v63  }
0x5a: {  	_ =	swait.ge [sflag:s0], $0x2000  }
0x5b: {  	[sflag:s0] =	ssyncset.done $0x0  }
0x5c: {  	s25 =	simm.s32 $0x680;
	[sflag:s0] =	ssyncadd.s32 $0xFFFFE000  }
0x5d: {  	[tilespmem:s26], [sflag:$0x1] =	stream.indirect.gather [hbm4b:s4+s16], $0x40, s25, s16, $0xb8;
	[tilespmem:$0x16400] =	vst v63  }
0x5e: {  	_ =	swait.ge [sflag:s0], $0x2000  }
0x5f: {  	[sflag:s0] =	ssyncset.done $0x0  }
0x60: {  	s28 =	simm.s32 $0x700;
	[sflag:s0] =	ssyncadd.s32 $0xFFFFE000  }
0x61: {  	[tilespmem:s29], [sflag:$0x1] =	stream.indirect.gather [hbm4b:s4+s16], $0x40, s28, s16, $0xb8;
	[tilespmem:$0x16400] =	vst v63  }
0x62: {  	_ =	swait.ge [sflag:s0], $0x2000  }
0x63: {  	[sflag:s0] =	ssyncset.done $0x0  }
0x64: {  	s23 =	simm.s32 $0x780;
	[sflag:s0] =	ssyncadd.s32 $0xFFFFE000  }
0x65: {  	[tilespmem:s31], [sflag:$0x1] =	stream.indirect.gather [hbm4b:s4+s16], $0x40, s23, s16, $0xb8;
	[tilespmem:$0x16400] =	vst v63  }
0x66: {  	_ =	swait.ge [sflag:s1], $0x2000  }
0x67: {  	s25 =	rddreg [dreg:$0x3];
	[sflag:s1] =	ssyncset.done $0x0  }
0x68: {  	[sflag:s1] =	ssyncadd.s32 $0xFFFFE000;
	s23 =	sadd.s32 s2, s25  }
0x69: {  	[hbm4b:s23+s3] =	stream.linear.scatter [tilespmem:s17], [sflag:$0x2], $0x2000, $0x38;
	[tilespmem:$0x16400] =	vst v63  }
0x6a: {  	_ =	swait.ge [sflag:s1], $0x2000  }
0x6b: {  	[sflag:s1] =	ssyncset.done $0x0  }
0x6c: {  	s21 =	sadd.s32 $0x400, s23;
	[sflag:s1] =	ssyncadd.s32 $0xFFFFE000  }
0x6d: {  	[hbm4b:s21+s3] =	stream.linear.scatter [tilespmem:s18], [sflag:$0x2], $0x2000, $0x38;
	[tilespmem:$0x16400] =	vst v63  }
0x6e: {  	_ =	swait.ge [sflag:s1], $0x2000  }
0x6f: {  	s28 =	rddreg [dreg:$0x4];
	[sflag:s1] =	ssyncset.done $0x0  }
0x70: {  	[sflag:s1] =	ssyncadd.s32 $0xFFFFE000;
	s21 =	sadd.s32 s2, s28  }
0x71: {  	[hbm4b:s21+s3] =	stream.linear.scatter [tilespmem:s20], [sflag:$0x2], $0x2000, $0x38;
	[tilespmem:$0x16400] =	vst v63  }
0x72: {  	_ =	swait.ge [sflag:s1], $0x2000  }
0x73: {  	[sflag:s1] =	ssyncset.done $0x0  }
0x74: {  	s25 =	sadd.s32 $0xC00, s23;
	[sflag:s1] =	ssyncadd.s32 $0xFFFFE000  }
0x75: {  	[hbm4b:s25+s3] =	stream.linear.scatter [tilespmem:s22], [sflag:$0x2], $0x2000, $0x38;
	[tilespmem:$0x16400] =	vst v63  }
0x76: {  	_ =	swait.ge [sflag:s1], $0x2000  }
0x77: {  	s28 =	rddreg [dreg:$0x5];
	[sflag:s1] =	ssyncset.done $0x0  }
0x78: {  	[sflag:s1] =	ssyncadd.s32 $0xFFFFE000;
	s21 =	sadd.s32 s2, s28  }
0x79: {  	[hbm4b:s21+s3] =	stream.linear.scatter [tilespmem:s24], [sflag:$0x2], $0x2000, $0x38;
	[tilespmem:$0x16400] =	vst v63  }
0x7a: {  	_ =	swait.ge [sflag:s1], $0x2000  }
0x7b: {  	[sflag:s1] =	ssyncset.done $0x0  }
0x7c: {  	s25 =	sadd.s32 $0x1400, s23;
	[sflag:s1] =	ssyncadd.s32 $0xFFFFE000  }
0x7d: {  	[hbm4b:s25+s3] =	stream.linear.scatter [tilespmem:s26], [sflag:$0x2], $0x2000, $0x38;
	[tilespmem:$0x16400] =	vst v63  }
0x7e: {  	_ =	swait.ge [sflag:s1], $0x2000  }
0x7f: {  	s28 =	rddreg [dreg:$0x6];
	[sflag:s1] =	ssyncset.done $0x0  }
0x80: {  	[sflag:s1] =	ssyncadd.s32 $0xFFFFE000;
	s21 =	sadd.s32 s2, s28  }
0x81: {  	[hbm4b:s21+s3] =	stream.linear.scatter [tilespmem:s29], [sflag:$0x2], $0x2000, $0x38;
	[tilespmem:$0x16400] =	vst v63  }
0x82: {  	_ =	swait.ge [sflag:s1], $0x2000  }
0x83: {  	s25 =	sadd.s32 $0x1C00, s23;
	[sflag:s1] =	ssyncset.done $0x0  }
0x84: {  	s23 =	sadd.s32 $0x2000, s2;
	s21 =	simm.s32 $0x1000;
	[sflag:s1] =	ssyncadd.s32 $0xFFFFE000  }
.LBB2_2:
0x85: {  	[hbm4b:s25+s3] =	stream.linear.scatter [tilespmem:s31], [sflag:$0x2], $0x2000, $0x38;
	[tilespmem:$0x16400] =	vst v63  }
0x86: {  	s28 =	smov.u32 s21;
	_ =	swait.ge [sflag:s0], $0x2000  }
0x87: {  	s25 =	sshra.s32 s28, $0x2;
	[sflag:s0] =	ssyncset.done $0x0  }
0x88: {  	s28 =	sadd.s32 $0x400, s25;
	[sflag:s0] =	ssyncadd.s32 $0xFFFFE000  }
0x89: {  	[tilespmem:s17], [sflag:$0x1] =	stream.indirect.gather [hbm4b:s4+s16], $0x40, s28, s16, $0xb8;
	[tilespmem:$0x16400] =	vst v63  }
0x8a: {  	_ =	swait.ge [sflag:s0], $0x2000  }
0x8b: {  	[sflag:s0] =	ssyncset.done $0x0  }
0x8c: {  	s28 =	sadd.s32 $0x480, s25;
	[sflag:s0] =	ssyncadd.s32 $0xFFFFE000  }
0x8d: {  	[tilespmem:s18], [sflag:$0x1] =	stream.indirect.gather [hbm4b:s4+s16], $0x40, s28, s16, $0xb8;
	[tilespmem:$0x16400] =	vst v63  }
0x8e: {  	_ =	swait.ge [sflag:s0], $0x2000  }
0x8f: {  	[sflag:s0] =	ssyncset.done $0x0  }
0x90: {  	s28 =	sadd.s32 $0x500, s25;
	[sflag:s0] =	ssyncadd.s32 $0xFFFFE000  }
0x91: {  	[tilespmem:s20], [sflag:$0x1] =	stream.indirect.gather [hbm4b:s4+s16], $0x40, s28, s16, $0xb8;
	[tilespmem:$0x16400] =	vst v63  }
0x92: {  	_ =	swait.ge [sflag:s0], $0x2000  }
0x93: {  	[sflag:s0] =	ssyncset.done $0x0  }
0x94: {  	s28 =	sadd.s32 $0x580, s25;
	[sflag:s0] =	ssyncadd.s32 $0xFFFFE000  }
0x95: {  	[tilespmem:s22], [sflag:$0x1] =	stream.indirect.gather [hbm4b:s4+s16], $0x40, s28, s16, $0xb8;
	[tilespmem:$0x16400] =	vst v63  }
0x96: {  	_ =	swait.ge [sflag:s0], $0x2000  }
0x97: {  	[sflag:s0] =	ssyncset.done $0x0  }
0x98: {  	s28 =	sadd.s32 $0x600, s25;
	[sflag:s0] =	ssyncadd.s32 $0xFFFFE000  }
0x99: {  	[tilespmem:s24], [sflag:$0x1] =	stream.indirect.gather [hbm4b:s4+s16], $0x40, s28, s16, $0xb8;
	[tilespmem:$0x16400] =	vst v63  }
0x9a: {  	_ =	swait.ge [sflag:s0], $0x2000  }
0x9b: {  	[sflag:s0] =	ssyncset.done $0x0  }
0x9c: {  	s28 =	sadd.s32 $0x680, s25;
	[sflag:s0] =	ssyncadd.s32 $0xFFFFE000  }
0x9d: {  	[tilespmem:s26], [sflag:$0x1] =	stream.indirect.gather [hbm4b:s4+s16], $0x40, s28, s16, $0xb8;
	[tilespmem:$0x16400] =	vst v63  }
0x9e: {  	_ =	swait.ge [sflag:s0], $0x2000  }
0x9f: {  	[sflag:s0] =	ssyncset.done $0x0  }
0xa0: {  	s28 =	sadd.s32 $0x700, s25;
	[sflag:s0] =	ssyncadd.s32 $0xFFFFE000  }
0xa1: {  	[tilespmem:s29], [sflag:$0x1] =	stream.indirect.gather [hbm4b:s4+s16], $0x40, s28, s16, $0xb8;
	[tilespmem:$0x16400] =	vst v63  }
0xa2: {  	_ =	swait.ge [sflag:s0], $0x2000  }
0xa3: {  	[sflag:s0] =	ssyncset.done $0x0  }
0xa4: {  	s25 =	sadd.s32 $0x780, s25;
	[sflag:s0] =	ssyncadd.s32 $0xFFFFE000  }
0xa5: {  	[tilespmem:s31], [sflag:$0x1] =	stream.indirect.gather [hbm4b:s4+s16], $0x40, s25, s16, $0xb8;
	[tilespmem:$0x16400] =	vst v63  }
0xa6: {  	_ =	swait.ge [sflag:s1], $0x2000  }
0xa7: {  	s28 =	rddreg [dreg:$0x3];
	[sflag:s1] =	ssyncset.done $0x0  }
0xa8: {  	[sflag:s1] =	ssyncadd.s32 $0xFFFFE000;
	s25 =	sadd.s32 s23, s28  }
0xa9: {  	[hbm4b:s25+s3] =	stream.linear.scatter [tilespmem:s17], [sflag:$0x2], $0x2000, $0x38;
	[tilespmem:$0x16400] =	vst v63  }
0xaa: {  	_ =	swait.ge [sflag:s1], $0x2000  }
0xab: {  	[sflag:s1] =	ssyncset.done $0x0  }
0xac: {  	s28 =	sadd.s32 $0x400, s25;
	[sflag:s1] =	ssyncadd.s32 $0xFFFFE000  }
0xad: {  	[hbm4b:s28+s3] =	stream.linear.scatter [tilespmem:s18], [sflag:$0x2], $0x2000, $0x38;
	[tilespmem:$0x16400] =	vst v63  }
0xae: {  	_ =	swait.ge [sflag:s1], $0x2000  }
0xaf: {  	s28 =	rddreg [dreg:$0x4];
	[sflag:s1] =	ssyncset.done $0x0  }
0xb0: {  	[sflag:s1] =	ssyncadd.s32 $0xFFFFE000;
	s28 =	sadd.s32 s23, s28  }
0xb1: {  	[hbm4b:s28+s3] =	stream.linear.scatter [tilespmem:s20], [sflag:$0x2], $0x2000, $0x38;
	[tilespmem:$0x16400] =	vst v63  }
0xb2: {  	_ =	swait.ge [sflag:s1], $0x2000  }
0xb3: {  	[sflag:s1] =	ssyncset.done $0x0  }
0xb4: {  	s28 =	sadd.s32 $0xC00, s25;
	[sflag:s1] =	ssyncadd.s32 $0xFFFFE000  }
0xb5: {  	[hbm4b:s28+s3] =	stream.linear.scatter [tilespmem:s22], [sflag:$0x2], $0x2000, $0x38;
	[tilespmem:$0x16400] =	vst v63  }
0xb6: {  	_ =	swait.ge [sflag:s1], $0x2000  }
0xb7: {  	s28 =	rddreg [dreg:$0x5];
	[sflag:s1] =	ssyncset.done $0x0  }
0xb8: {  	[sflag:s1] =	ssyncadd.s32 $0xFFFFE000;
	s28 =	sadd.s32 s23, s28  }
0xb9: {  	[hbm4b:s28+s3] =	stream.linear.scatter [tilespmem:s24], [sflag:$0x2], $0x2000, $0x38;
	[tilespmem:$0x16400] =	vst v63  }
0xba: {  	_ =	swait.ge [sflag:s1], $0x2000  }
0xbb: {  	[sflag:s1] =	ssyncset.done $0x0  }
0xbc: {  	s28 =	sadd.s32 $0x1400, s25;
	[sflag:s1] =	ssyncadd.s32 $0xFFFFE000  }
0xbd: {  	[hbm4b:s28+s3] =	stream.linear.scatter [tilespmem:s26], [sflag:$0x2], $0x2000, $0x38;
	[tilespmem:$0x16400] =	vst v63  }
0xbe: {  	_ =	swait.ge [sflag:s1], $0x2000  }
0xbf: {  	p0 =	sne.s32 s21, $0x17000;
	s28 =	rddreg [dreg:$0x6];
	[sflag:s1] =	ssyncset.done $0x0  }
.Ltmp0:
0xc0: {  	[sflag:s1] =	ssyncadd.s32 $0xFFFFE000;
	s28 =	sadd.s32 s23, s28;
	(pc) =	sbr.rel @p0 .LBB2_2-.Ltmp0, $4  }
0xc1: {  	[hbm4b:s28+s3] =	stream.linear.scatter [tilespmem:s29], [sflag:$0x2], $0x2000, $0x38;
	[tilespmem:$0x16400] =	vst v63  }
0xc2: {  	_ =	swait.ge [sflag:s1], $0x2000  }
0xc3: {  	s21 =	sadd.s32 $0x1000, s21;
	[sflag:s1] =	ssyncset.done $0x0  }
0xc4: {  	s25 =	sadd.s32 $0x1C00, s25;
	s23 =	sadd.s32 $0x2000, s23;
	[sflag:s1] =	ssyncadd.s32 $0xFFFFE000  }
0xc5: {  	[hbm4b:s25+s3] =	stream.linear.scatter [tilespmem:s31], [sflag:$0x2], $0x2000, $0x38;
	[tilespmem:$0x16400] =	vst v63  }
0xc6: {  	_ =	swait.ge [sflag:s0], $0x2000  }
0xc7: {  	[sflag:s0] =	ssyncset.done $0x0  }
0xc8: {  	[sflag:s0] =	ssyncadd.s32 $0xFFFFE000  }
0xc9: {  	_ =	swait.ge [sflag:s0], $0x2000  }
0xca: {  	[sflag:s0] =	ssyncset.done $0x0  }
0xcb: {  	[sflag:s0] =	ssyncadd.s32 $0xFFFFE000  }
0xcc: {  	_ =	swait.ge [sflag:s0], $0x2000  }
0xcd: {  	[sflag:s0] =	ssyncset.done $0x0  }
0xce: {  	[sflag:s0] =	ssyncadd.s32 $0xFFFFE000  }
0xcf: {  	_ =	swait.ge [sflag:s0], $0x2000  }
0xd0: {  	[sflag:s0] =	ssyncset.done $0x0  }
0xd1: {  	[sflag:s0] =	ssyncadd.s32 $0xFFFFE000  }
0xd2: {  	_ =	swait.ge [sflag:s0], $0x2000  }
0xd3: {  	[sflag:s0] =	ssyncset.done $0x0  }
0xd4: {  	[sflag:s0] =	ssyncadd.s32 $0xFFFFE000  }
0xd5: {  	_ =	swait.ge [sflag:s0], $0x2000  }
0xd6: {  	[sflag:s0] =	ssyncset.done $0x0  }
0xd7: {  	s19 =	sadd.s32 $0x1, s19;
	[sflag:s0] =	ssyncadd.s32 $0xFFFFE000  }
0xd8: {  	p0 =	sne.s32 s19, s14;
	_ =	swait.ge [sflag:s0], $0x2000  }
.Ltmp1:
0xd9: {  	[sflag:s0] =	ssyncset.done $0x0;
	(pc) =	sbr.rel @p0 .LBB2_1-.Ltmp1, $4  }
0xda: {  	[sflag:s0] =	ssyncadd.s32 $0xFFFFE000  }
0xdb: {  	_ =	swait.ge [sflag:s0], $0x2000  }
0xdc: {  	[sflag:s0] =	ssyncset.done $0x0  }
0xdd: {  	[sflag:s0] =	ssyncadd.s32 $0xFFFFE000  }
0xde: {  	_ =	sfence.sel $0x180000  }
0xdf: {  	[bflag:$0x0] =	sbarrier.arrive $0xFFFF  }
0xe0: {  	_ =	strace $0x90000047  }
0xe1: {  	s0 =	stileid.u32;
	[bflag:$0x2] =	sbarrier.arrive $0xFFFF  }
0xe2: {  	p0 =	sne.s32 s0, $0x0;
	s0 =	rddreg [dreg:$0x2]  }
0xe3: {  	s0 =	sadd.s32 @!p0 $0x100000, s0  }
0xe4: {  	[sflag:s0] =	ssyncadd.tile.s32 @!p0 $0x1;
	_ =	shalt  }
.Lfunc_end2:
_tile_overlayer_lowered:
.L_overlay_start_2:
0xe5: {  	(tag) =	ssettag $0x2  }
0xe6: {  	s0 =	rddreg [dreg:$0x0];
	s2 =	stileid.u32  }
0xe7: {  	s1 =	rddreg [dreg:$0x1];
	p0 =	sne.s32 s2, $0x0  }
0xe8: {  	s3 =	rddreg [dreg:$0x2];
	[bflag:$0x3] =	sbarrier.arrive $0xFFFF;
	s2 =	simm.s32 @!p0 $0x1C03  }
0xe9: {  	[timem:s3], [sflag:s2] =	dma.local @!p0 [hbm:s0], s1  }
0xea: {  	s0 =	simm.s32 @!p0 $0x3  }
0xeb: {  	_ =	swait.ge @!p0 [sflag:s0], s1  }
0xec: {  	s1 =	ssub.s32 @!p0 $0x0, s1;
	[sflag:s0] =	ssyncset.done @!p0 $0x0  }
0xed: {  	[sflag:s0] =	ssyncadd.s32 @!p0 s1  }
0xee: {  	[bflag:$0x3] =	sbarrier.arrive $0xFFFF  }
0xef: {  	_ =	shalt  }

// kernel: sparse-core-data-format-call.cloned.1.call-start
scs
called_computation_lowered:
.L_overlay_start_0:
0x0: {  	s2 =	sld [smem:$0x3FD9]  }
0x1: {  	s3 =	sld [smem:$0x3FFE];
	_ =	sdelay $0x1  }
0x2: {  	s1 =	srdreg.scid  }
0x3: {  	s0 =	sand.u32 $0x1, s1  }
0x4: {  	s18 =	sshll.u32 s0, $0xA;
	s2 =	sadd.s32 s3, s2  }
0x5: {  	s2 =	sadd.s32 s2, s18  }
0x6: {  	[smem:$0x3FC6] =	sst s2  }
0x7: {  	_ = 	snop  }
0x8: {  	s2 =	sld [smem:$0x3FD0];
	(tm) =	ssettm $0x1  }
0x9: {  	s19 =	sld [smem:$0x3FFB];
	_ =	sdelay $0x3  }
0xa: {  	_ =	strace s19  }
0xb: {  	s3 =	sld [smem:$0x3FFC];
	_ =	sdelay $0x3  }
0xc: {  	_ =	strace s3  }
0xd: {  	s3 =	sld [smem:$0x3FFD];
	_ =	sdelay $0x3  }
0xe: {  	_ =	strace s3  }
0xf: {  	_ =	strace $0x8FFFFFFF  }
0x10: {  	s20 =	sld [smem:$0x3FDB];
	_ =	sdelay $0x1  }
0x11: {  	s4 =	simm.s32 $_scs_section_size  }
0x12: {  	s5 =	simm.s32 $_size__tile_overlayer_lowered;
	s6 =	simm.s32 $_tile_overlayer_lowered  }
0x13: {  	s23 =	simm.s32 $0x1BFF;
	s22 =	sshll.u32 s6, $0x1;
	s3 =	sadd.s32 s4, s20  }
0x14: {  	s7 =	simm.s32 $0x0;
	s21 =	sshll.u32 s5, $0x1;
	s5 =	sadd.s32 s22, s3  }
0x15: {  	[timem:s7], [sflag:s23] =	dma.local [hbm:s5], s21  }
0x16: {  	_ =	swait.ge [sflag:s23], s21  }
0x17: {  	s4 =	ssub.s32 $0x0, s21;
	[sflag:s23] =	ssyncset.done $0x0  }
0x18: {  	[sflag:s23] =	ssyncadd.s32 s4;
	_ =	sdelay $0x1  }
0x19: {  	s24 =	simm.s32 $0x1B8B  }
0x1a: {  	_ =	swait.ge [sflag:s24], $0x1  }
0x1b: {  	[sflag:s24] =	ssyncset.done $0x0  }
0x1c: {  	s26 =	simm.s32 $0x1B8E;
	s25 =	sld [smem:$0x3FFE];
	[sflag:s24] =	ssyncadd.s32 $0xFFFFFFFF  }
0x1d: {  	s27 =	simm.s32 $execute0_lowered;
	[smem:$0x3FD2] =	sst s26  }
0x1e: {  	s5 =	sshll.u32 s27, $0x1;
	_ =	strace $0x80000049;
	[dreg:$0x1] =	wrdreg $0xFFFFFFFF  }
0x1f: {  	s28 =	simm.s32 $_size_execute0_lowered;
	s3 =	sadd.s32 s3, s5;
	[dreg:$0x0] =	wrdreg $0x0  }
0x20: {  	s5 =	sshll.u32 s28, $0x1;
	[dreg:$0x2] =	wrdreg s3  }
0x21: {  	[dreg:$0x3] =	wrdreg s5  }
0x22: {  	[dreg:$0x4] =	wrdreg $0xC0  }
0x23: {  	_ =	task [dreg:s7], $0x5FFFF  }
0x24: {  	[dreg:$0x1] =	wrdreg $0xFFFFFFFF  }
0x25: {  	[dreg:$0x0] =	wrdreg $0x60  }
0x26: {  	[dreg:$0x2] =	wrdreg s25  }
0x27: {  	[dreg:$0x3] =	wrdreg s2  }
0x28: {  	[dreg:$0x4] =	wrdreg $0x9  }
0x29: {  	_ =	task.clear_ibuf [dreg:s7], $0x5FFFF;
	_ =	strace $0x90000049  }
0x2a: {  	s29 =	simm.s32 $0x9;
	_ =	strace $0x8000004B  }
0x2b: {  	_ =	swait.ge [sflag:s29], $0x1  }
0x2c: {  	[sflag:s29] =	ssyncadd.s32 $0xFFFFFFFF  }
0x2d: {  	_ =	strace $0x9000004B  }
0x2e: {  	_ =	sfence  }
0x2f: {  	s30 =	sld [smem:$0x0];
	_ =	sdelay $0x2  }
0x30: {  	s31 =	sshll.u32 s1, $0xD;
	s1 =	sshrl.u32 s1, $0x2  }
0x31: {  	s3 =	sand.u32 $0x4000, s31;
	s1 =	sadd.s32 s1, s30  }
0x32: {  	s0 =	sor.u32 s3, s0;
	s1 =	sshll.u32 s1, $0x11  }
0x33: {  	s0 =	sor.u32 s1, s0  }
0x34: {  	s0 =	sadd.s32 $0x8F2B, s0  }
0x35: {  	[sflag:s0] =	ssyncadd.remote.s32 $0x1  }
0x36: {  	_ =	sfence.sel $0xFFFF  }
0x37: {  	[dreg:$0x0] =	wrdreg $0xFFFFFFFF;
	(pc) =	sbr.abs _section_cstart, $3  }
0x38: {  	[dreg:$0x1] =	wrdreg $0xFFFFFFFF  }
0x39: {  	_ =	task.clear_ibuf [dreg:s7], $0x2FFFF;
	_ =	strace $0x9FFFFFFF  }
0x3a: {  	(tm) =	ssettm $0x7FFFFFFF  }
0x3b: {  	_ =	shalt  }
tec
execute0_lowered:
.L_overlay_start_1:
0x0: {  	(tag) =	ssettag $0x1  }
0x1: {  	s0 =	srdreg.scid  }
0x2: {  	s1 =	sshll.u32 s0, $0x4  }
0x3: {  	s0 =	stileid.u32;
	s1 =	sand.u32 $0x10, s1  }
0x4: {  	s1 =	sor.u32 s0, s1  }
0x5: {  	s6 =	rddreg [dreg:$0x0];
	s4 =	simm.s32 $0x1;
	s2 =	sshll.u32 s1, $0x7  }
0x6: {  	s7 =	simm.s32 $0x2;
	s12 =	simm.s32 $0x0;
	s1 =	ssub.s32 $0x4000, s2  }
0x7: {  	s8 =	simm.s32 $0x20000;
	s13 =	simm.s32 $0x0;
	s3 =	sand.u32 $0xF80, s1  }
0x8: {  	s9 =	simm.s32 $0x0;
	s5 =	sshrl.u32 s1, $0xC;
	p0 =	sne.s32 s3, $0x0  }
.Ltmp0:
0x9: {  	s1 =	rddreg [dreg:$0x2];
	s4 =	simm.s32 @!p0 $0x0;
	(pc) =	sbr.rel .LBB1_1-.Ltmp0, $4  }
0xa: {  	s11 =	simm.s32 $0x0;
	s3 =	rddreg [dreg:$0x1];
	s5 =	sadd.s32 s4, s5  }
0xb: {  	_ =	strace $0x8000004A;
	s4 =	simm.s32 $0x1;
	s5 =	smul.u32 $0x32, s5  }
0xc: {  	s6 =	sadd.s32 $0xA00, s6;
	s10 =	smov.u32 s2;
	[sflag:s4] =	ssyncpa.u1 $0x0  }
0xd: {  	p0 =	por $0x0, $0x0;
	[sflag:s7] =	ssyncpa.u1 $0x0;
	s7 =	sor.u32 $0x1, s5  }
.LBB1_4:
0xe: {  	s16 =	sshll.u32 s13, $0x3;
	s17 =	sand.u32 $0x78, s13  }
0xf: {  	s30 =	sand.u32 $0x1F800, s13;
	s12 =	sshll.u32 s12, $0x11;
	s16 =	sand.u32 $0x3C00, s16  }
0x10: {  	[tilespmem:s15+$0x810 ss:$0x81] =	vst.msk $0xffff, v2;
	s31 =	sand.u32 $0x7, s13;
	s16 =	sor.u32 s17, s16;
	s17 =	sadd.s32 s3, s30  }
0x11: {  	[tilespmem:s15+$0x1020 ss:$0x81] =	vst.msk $0xffff, v0;
	s13 =	sshll.u32 s31, $0x12;
	s12 =	sadd.s32 s12, s17;
	s16 =	sshrl.u32 s16, $0x3  }
0x12: {  	[tilespmem:s15+$0x0 ss:$0x81] =	vst.msk $0xffff, v1;
	s13 =	sor.u32 $0x400, s13;
	s12 =	sadd.s32 s16, s12  }
0x13: {  	[hbm4b:s12+s13] =	stream.strided.scatter [tilespmem:s14], [sflag:$0x2], $0x2000, s8, s13, $0x20;
	[tilespmem:$0x8080] =	vst v63  }
.LBB1_5:
0x14: {  	s14 =	sadd.s32 $0x1, s9  }
0x15: {  	s12 =	sadd.s32 $0x1000, s10;
	s16 =	smov.u32 s10;
	p2 =	sgt.s32 s14, $0x31  }
0x16: {  	s16 =	smov.u32 @p2 s12  }
0x17: {  	s14 =	simm.s32 @p2 $0x0;
	p2 =	sgt.s32 s16, $0x3FFF  }
0x18: {  	s16 =	smov.u32 @p2 s2;
	p2 =	sne.s32 s11, s7  }
.Ltmp1:
0x19: {  	p1 =	slt.u32 s11, $0x2;
	(pc) =	sbr.rel @!p2 .LBB1_6-.Ltmp1, $4  }
0x1a: {  	s15 =	simm.s32 @!p1 $0x2  }
0x1b: {  	s13 =	smov.u32 s10;
	p0 =	por !p0, !p0;
	_ =	swait.ge @!p1 [sflag:s15], $0x2000  }
0x1c: {  	s12 =	smov.u32 s9;
	[sflag:s15] =	ssyncset.done @!p1 $0x0;
	s9 =	smov.u32 s14  }
0x1d: {  	s11 =	sadd.s32 $0x1, s11;
	[sflag:s15] =	ssyncadd.s32 @!p1 $0xFFFFE000;
	s10 =	smov.u32 s16  }
.LBB1_1:
0x1e: {  	p1 =	sge.u32 s11, s5  }
0x1f: {  	s14 =	sand.u32 @!p1 $0x1FFFFFF, s9  }
0x20: {  	s15 =	smulhi.u32 @!p1 $0x4924925, s14;
	_ =	sdelay $0x1  }
0x21: {  	s15 =	smul.u32 @!p1 $0x38, s15  }
0x22: {  	s16 =	sxor.u32 @!p1 $0xFFFFFFFF, s11;
	s17 =	smul.u32 @!p1 $0x380, s10  }
0x23: {  	s31 =	sadd.s32 $0xFFFFFFFF, s11;
	s16 =	sshll.u32 @!p1 s16, $0xD;
	s14 =	ssub.s32 @!p1 s14, s15  }
0x24: {  	s15 =	sand.u32 @!p1 $0x2000, s16;
	s16 =	sadd.s32 @!p1 s6, s17;
	s14 =	sshll.u32 @!p1 s14, $0x4  }
0x25: {  	s17 =	simm.s32 @!p1 $0x1C00;
	s14 =	sadd.s32 @!p1 s14, s16;
	s16 =	simm.s32 @!p1 $0x40  }
0x26: {  	[tilespmem:s15], [sflag:$0x1] =	stream.strided.gather @!p1 [hbm4b:s14+s16], $0x2000, s17, s16, $0x38;
	[tilespmem:$0x8080] =	vst v63  }
0x27: {  	p1 =	sge.u32 s31, s5  }
.Ltmp2:
0x28: {  	_ = 	snop;
	(pc) =	sbr.rel @p1 .LBB1_5-.Ltmp2, $1  }
0x29: {  	_ =	sdelay $0x3  }
0x2a: {  	s14 =	simm.s32 $0x1  }
0x2b: {  	_ =	swait.ge [sflag:s4], $0x2000;
	s14 =	simm.s32 @!p0 $0x0  }
0x2c: {  	[sflag:s4] =	ssyncset.done $0x0;
	s15 =	sshll.u32 s14, $0xD  }
0x2d: {  	[sflag:s4] =	ssyncadd.s32 $0xFFFFE000;
	s18 =	sor.u32 $0x20, s15  }
0x2e: {  	s14 =	smul.u32 $0x8100, s14;
	v3 =	vld [tilespmem:s18+$0x10]  }
0x2f: {  	s30 =	sand.u32 $0x1, s11;
	v2 =	vld [tilespmem:s18+$0xFFFFFFF0]  }
0x30: {  	s15 =	smul.u32 $0x8100, s30;
	s14 =	sshrl.u32 s14, $0x2;
	v0 =	vld [tilespmem:s18+$0x0]  }
0x31: {  	v1 =	vld [tilespmem:s18+$0xFFFFFFE0];
	s16 =	sor.u32 $0x4000, s14  }
0x32: {  	s31 =	sshrl.u32 s15, $0x2;
	s15 =	sadd.s32 $0x0, s16  }
0x33: {  	s17 =	simm.s32 $0x4;
	s18 =	sadd.s32 $0x40, s18;
	s14 =	sor.u32 $0x4000, s31;
	[tilespmem:s15+$0x1830 ss:$0x81] =	vst.msk $0xffff, v3  }
.LBB1_3:
0x34: {  	v3 =	vld [tilespmem:s18+$0x10];
	p1 =	sne.s32 s17, $0x1FC;
	[tilespmem:s15+$0x810 ss:$0x81] =	vst.msk $0xffff, v2;
	s19 =	smov.u32 s17;
	s17 =	sadd.s32 $0x4, s17  }
.Ltmp3:
0x35: {  	v2 =	vld [tilespmem:s18+$0xFFFFFFF0];
	[tilespmem:s15+$0x1020 ss:$0x81] =	vst.msk $0xffff, v0;
	(pc) =	sbr.rel @p1 .LBB1_3-.Ltmp3, $4  }
0x36: {  	v0 =	vld [tilespmem:s18+$0x0];
	[tilespmem:s15+$0x0 ss:$0x81] =	vst.msk $0xffff, v1  }
0x37: {  	s15 =	sshra.s32 s19, $0x2;
	v1 =	vld [tilespmem:s18+$0xFFFFFFE0]  }
0x38: {  	s15 =	sadd.s32 s15, s16  }
0x39: {  	s18 =	sadd.s32 $0x40, s18;
	[tilespmem:s15+$0x1830 ss:$0x81] =	vst.msk $0xffff, v3  }
.Ltmp4:
0x3a: {  	_ = 	snop;
	(pc) =	sbr.rel .LBB1_4-.Ltmp4, $1  }
0x3b: {  	_ =	sdelay $0x3  }
.LBB1_6:
0x3c: {  	_ =	sfence.sel $0x180000  }
0x3d: {  	s2 =	simm.s32 $0x1;
	[bflag:$0x0] =	sbarrier.arrive $0xFFFF  }
0x3e: {  	s31 =	simm.s32 $0x2;
	[sflag:s2] =	ssyncpa.u1 $0x1  }
0x3f: {  	[sflag:s31] =	ssyncpa.u1 $0x1  }
0x40: {  	p0 =	sne.s32 s0, $0x0;
	_ =	strace $0x9000004A  }
0x41: {  	s0 =	sadd.s32 @!p0 $0x100000, s1;
	[bflag:$0x2] =	sbarrier.arrive $0xFFFF  }
0x42: {  	[sflag:s0] =	ssyncadd.tile.s32 @!p0 $0x1;
	_ =	shalt  }
.Lfunc_end1:
_tile_overlayer_lowered:
.L_overlay_start_2:
0x43: {  	(tag) =	ssettag $0x2  }
0x44: {  	s0 =	rddreg [dreg:$0x0];
	s2 =	stileid.u32  }
0x45: {  	s1 =	rddreg [dreg:$0x1];
	p0 =	sne.s32 s2, $0x0  }
0x46: {  	s3 =	rddreg [dreg:$0x2];
	[bflag:$0x3] =	sbarrier.arrive $0xFFFF;
	s2 =	simm.s32 @!p0 $0x1C01  }
0x47: {  	[timem:s3], [sflag:s2] =	dma.local @!p0 [hbm:s0], s1  }
0x48: {  	s0 =	simm.s32 @!p0 $0x1  }
0x49: {  	_ =	swait.ge @!p0 [sflag:s0], s1  }
0x4a: {  	s1 =	ssub.s32 @!p0 $0x0, s1;
	[sflag:s0] =	ssyncset.done @!p0 $0x0  }
0x4b: {  	[sflag:s0] =	ssyncadd.s32 @!p0 s1  }
0x4c: {  	[bflag:$0x3] =	sbarrier.arrive $0xFFFF  }
0x4d: {  	_ =	shalt  }

</sc_bundles>
